<compile_context>
chip_gen: v7x
topology: tpu7x:2x2x1
jax: 0.10.2.dev20260603
libtpu: 0.0.44.dev20260713+nightly
codegen_flags: <defaults>
</compile_context>

<pallas_src>
import jax
import jax.numpy as jnp
from jax import lax
from jax.experimental import pallas as pl
from jax.experimental.pallas import tpu as pltpu
from jax.experimental.pallas import tpu_sc as plsc

N = 10000
E = 160000
D_IN = 300
D_HID = 150
DA = 128
DB = 32
DP = DA + DB
DEGC = D_HID - DA

NC, NS = 2, 16
NW = NC * NS
CHUNK = 125
NCHUNK = E // (NW * CHUNK)
NPAD = 10240
NROWS_PER_TILE = NPAD // NS

BM = 2000
GRID = N // BM



_NT = (((1,), (1,)), ((), ()))


def _split_ab(d):
    ones = jnp.ones((d.shape[0], 1), jnp.float32)
    zeros = jnp.zeros((d.shape[0], DB - DEGC - 1), jnp.float32)
    return d[:, :DA], jnp.concatenate([d[:, DA:], ones, zeros], axis=1)


def _k1_body(x_ref, w_ref, oa_ref, ob_ref):
    d = lax.dot_general(x_ref[...], w_ref[...], _NT,
                        preferred_element_type=jnp.float32)
    oa, ob = _split_ab(d)
    oa_ref[...] = oa.astype(jnp.bfloat16)
    ob_ref[...] = ob.astype(jnp.bfloat16)


def _k3_body(sa_ref, sb_ref, x_ref, w_ref, b_ref, oa_ref, ob_ref):
    sa = sa_ref[0].astype(jnp.float32) + sa_ref[1].astype(jnp.float32)
    sb = sb_ref[0].astype(jnp.float32) + sb_ref[1].astype(jnp.float32)
    deg = jnp.maximum(sb[:, DEGC:DEGC + 1], 1.0)
    m = jnp.concatenate([sa, sb[:, :DEGC]], axis=1) / deg
    z = m + lax.dot_general(x_ref[...], w_ref[...], _NT,
                            preferred_element_type=jnp.float32) + b_ref[...]
    oa, ob = _split_ab(jnp.maximum(z, 0.0))
    oa_ref[...] = oa.astype(jnp.bfloat16)
    ob_ref[...] = ob.astype(jnp.bfloat16)


def _k5_body(sa_ref, sb_ref, ha_ref, hb_ref, wl_ref, wr_ref, b_ref, o_ref):
    sa = sa_ref[0].astype(jnp.float32) + sa_ref[1].astype(jnp.float32)
    sb = sb_ref[0].astype(jnp.float32) + sb_ref[1].astype(jnp.float32)
    deg = jnp.maximum(sb[:, DEGC:DEGC + 1], 1.0)
    m = jnp.concatenate([sa, sb[:, :DEGC]], axis=1) / deg
    h = jnp.concatenate([ha_ref[...].astype(jnp.float32),
                         hb_ref[:, :DEGC].astype(jnp.float32)], axis=1)
    o_ref[...] = (lax.dot_general(m, wl_ref[...], _NT,
                                  preferred_element_type=jnp.float32)
                  + lax.dot_general(h, wr_ref[...], _NT,
                                    preferred_element_type=jnp.float32)
                  + b_ref[...])



def _segsum_body(y_hbm, src_hbm, dst_hbm, zero_hbm, out_hbm,
                 src_v, dst_v, rows0_v, rows1_v, acc_sh, gsem0, gsem1):
    cid = lax.axis_index("c")
    sid = lax.axis_index("s")
    wid = cid * NS + sid
    sl = pl.ds(sid * NROWS_PER_TILE, NROWS_PER_TILE)
    pltpu.sync_copy(zero_hbm.at[sl], acc_sh.at[sl])
    pltpu.sync_copy(src_hbm.at[wid], src_v)
    pltpu.sync_copy(dst_hbm.at[wid], dst_v)
    plsc.subcore_barrier()

    pltpu.async_copy(y_hbm.at[src_v.at[0]], rows0_v, gsem0)

    def chunk(j, carry):
        c = 2 * j
        pltpu.async_copy(y_hbm.at[src_v.at[c + 1]], rows1_v, gsem1)
        pltpu.make_async_copy(y_hbm.at[src_v.at[c]], rows0_v, gsem0).wait()
        pltpu.sync_copy(rows0_v, acc_sh.at[dst_v.at[c]], add=True)

        @pl.when(j < NCHUNK // 2 - 1)
        def _():
            pltpu.async_copy(y_hbm.at[src_v.at[c + 2]], rows0_v, gsem0)

        pltpu.make_async_copy(y_hbm.at[src_v.at[c + 1]], rows1_v, gsem1).wait()
        pltpu.sync_copy(rows1_v, acc_sh.at[dst_v.at[c + 1]], add=True)
        return carry

    lax.fori_loop(0, NCHUNK // 2, chunk, 0)
    plsc.subcore_barrier()
    pltpu.sync_copy(acc_sh.at[sl], out_hbm.at[cid, sl])


def _make_segsum(width):
    return pl.kernel(
        _segsum_body,
        out_type=jax.ShapeDtypeStruct((NC, NPAD, width), jnp.bfloat16),
        mesh=plsc.VectorSubcoreMesh(core_axis_name="c", subcore_axis_name="s",
                                    num_cores=NC, num_subcores=NS),
        scratch_types=[
            pltpu.VMEM((NCHUNK, CHUNK), jnp.int32),
            pltpu.VMEM((NCHUNK, CHUNK), jnp.int32),
            pltpu.VMEM((CHUNK, width), jnp.bfloat16),
            pltpu.VMEM((CHUNK, width), jnp.bfloat16),
            pltpu.VMEM_SHARED((NPAD, width), jnp.bfloat16),
            pltpu.SemaphoreType.DMA,
            pltpu.SemaphoreType.DMA,
        ],
        compiler_params=pltpu.CompilerParams(use_tc_tiling_on_sc=False),
    )


_segsum_a = _make_segsum(DA)
_segsum_b = _make_segsum(DB)



@jax.jit
def kernel(features, edges, W1_l, b1, W1_r, W2_l, b2, W2_r):
    f32 = jnp.float32
    b1p = b1[None, :]
    b2p = b2[None, :]
    src_r = edges[0].reshape(NW, NCHUNK, CHUNK)
    dst_r = edges[1].reshape(NW, NCHUNK, CHUNK)
    zeros_a = jnp.zeros((NPAD, DA), jnp.bfloat16)
    zeros_b = jnp.zeros((NPAD, DB), jnp.bfloat16)

    y1a, y1b = pl.pallas_call(
        _k1_body,
        grid=(GRID,),
        in_specs=[pl.BlockSpec((BM, D_IN), lambda i: (i, 0)),
                  pl.BlockSpec((D_HID, D_IN), lambda i: (0, 0))],
        out_specs=[pl.BlockSpec((BM, DA), lambda i: (i, 0)),
                   pl.BlockSpec((BM, DB), lambda i: (i, 0))],
        out_shape=[jax.ShapeDtypeStruct((N, DA), jnp.bfloat16),
                   jax.ShapeDtypeStruct((N, DB), jnp.bfloat16)],
    )(features, W1_l)

    seg1a = _segsum_a(y1a, src_r, dst_r, zeros_a)
    seg1b = _segsum_b(y1b, src_r, dst_r, zeros_b)

    h2a, h2b = pl.pallas_call(
        _k3_body,
        grid=(GRID,),
        in_specs=[pl.BlockSpec((NC, BM, DA), lambda i: (0, i, 0)),
                  pl.BlockSpec((NC, BM, DB), lambda i: (0, i, 0)),
                  pl.BlockSpec((BM, D_IN), lambda i: (i, 0)),
                  pl.BlockSpec((D_HID, D_IN), lambda i: (0, 0)),
                  pl.BlockSpec((1, D_HID), lambda i: (0, 0))],
        out_specs=[pl.BlockSpec((BM, DA), lambda i: (i, 0)),
                   pl.BlockSpec((BM, DB), lambda i: (i, 0))],
        out_shape=[jax.ShapeDtypeStruct((N, DA), jnp.bfloat16),
                   jax.ShapeDtypeStruct((N, DB), jnp.bfloat16)],
    )(seg1a, seg1b, features, W1_r, b1p)

    seg2a = _segsum_a(h2a, src_r, dst_r, zeros_a)
    seg2b = _segsum_b(h2b, src_r, dst_r, zeros_b)

    out = pl.pallas_call(
        _k5_body,
        grid=(GRID,),
        in_specs=[pl.BlockSpec((NC, BM, DA), lambda i: (0, i, 0)),
                  pl.BlockSpec((NC, BM, DB), lambda i: (0, i, 0)),
                  pl.BlockSpec((BM, DA), lambda i: (i, 0)),
                  pl.BlockSpec((BM, DB), lambda i: (i, 0)),
                  pl.BlockSpec((D_IN, D_HID), lambda i: (0, 0)),
                  pl.BlockSpec((D_IN, D_HID), lambda i: (0, 0)),
                  pl.BlockSpec((1, D_IN), lambda i: (0, 0))],
        out_specs=pl.BlockSpec((BM, D_IN), lambda i: (i, 0)),
        out_shape=jax.ShapeDtypeStruct((N, D_IN), f32),
    )(seg2a, seg2b, h2a, h2b, W2_l, W2_r, b2p)
    return out

# --- scband reference (transcript-rebuilt; emitter-appended) ---
"""Pipeline reference for scband-graph-sage-10651518894450 (READ-ONLY COPY).

The authoritative reference and input builder live on the scoring server;
editing this copy changes nothing except your own understanding.
"""

import jax, jax.numpy as jnp
import numpy as np

N_NODES = 10000
N_EDGES = 160000
D_IN = 300
D_HID = 150


def _glorot(key, shape):
    fan_in = shape[1]
    return jax.random.normal(key, shape, dtype=jnp.float32) * (1.0 / np.sqrt(fan_in))


def setup_inputs(seed: int = 0) -> dict:
    key = jax.random.key(seed)
    ks = jax.random.split(key, 8)
    features = jax.random.normal(ks[0], (N_NODES, D_IN), dtype=jnp.float32)
    edges = jax.random.randint(ks[1], (2, N_EDGES), 0, N_NODES, dtype=jnp.int32)
    # SAGEConv params: lin_l (applied to mean-aggregated neighbors, has bias),
    # lin_r (applied to root/self features, no bias) -- PyG convention.
    W1_l = _glorot(ks[2], (D_HID, D_IN))
    b1 = jnp.zeros((D_HID,), dtype=jnp.float32)
    W1_r = _glorot(ks[3], (D_HID, D_IN))
    W2_l = _glorot(ks[4], (D_IN, D_HID))
    b2 = jnp.zeros((D_IN,), dtype=jnp.float32)
    W2_r = _glorot(ks[5], (D_IN, D_HID))
    return {
        "features": features,
        "edges": edges,
        "W1_l": W1_l,
        "b1": b1,
        "W1_r": W1_r,
        "W2_l": W2_l,
        "b2": b2,
        "W2_r": W2_r,
    }


def _sage_conv(x, edges, W_l, b_l, W_r):
    src = edges[0]
    dst = edges[1]
    msgs = jnp.take(x, src, axis=0)
    agg = jax.ops.segment_sum(msgs, dst, num_segments=N_NODES)
    deg = jax.ops.segment_sum(
        jnp.ones((edges.shape[1],), dtype=x.dtype), dst, num_segments=N_NODES
    )
    mean = agg / jnp.clip(deg, 1.0)[:, None]
    return mean @ W_l.T + b_l + x @ W_r.T


def reference(features, edges, W1_l, b1, W1_r, W2_l, b2, W2_r):
    h1 = _sage_conv(features, edges, W1_l, b1, W1_r)
    h2 = jax.nn.relu(h1)
    # dropout p=0.0 is identity
    out = _sage_conv(h2, edges, W2_l, b2, W2_r)
    return out

if __name__ == "__main__":
    import jax
    _d = setup_inputs()
    print(jax.jit(kernel)(*tuple(_d.values())))

</pallas_src>

<mosaic_0001>
#map = affine_map<(d0, d1) -> (0, 0)>
#map1 = affine_map<(d0, d1) -> (0, 0, 0)>
module attributes {stable_mosaic.version = 14 : i64} {
  func.func @_segsum_body(%arg0: i32, %arg1: i32, %arg2: memref<10000x128xbf16, #tpu.memory_space<hbm>>, %arg3: memref<32x40x125xi32, #tpu.memory_space<hbm>>, %arg4: memref<32x40x125xi32, #tpu.memory_space<hbm>>, %arg5: memref<10240x128xbf16, #tpu.memory_space<hbm>>, %arg6: memref<2x10240x128xbf16, #tpu.memory_space<hbm>>, %arg7: memref<40x125xi32, #tpu.memory_space<vmem>>, %arg8: memref<40x125xi32, #tpu.memory_space<vmem>>, %arg9: memref<125x128xbf16, #tpu.memory_space<vmem>>, %arg10: memref<125x128xbf16, #tpu.memory_space<vmem>>, %arg11: memref<10240x128xbf16, #tpu.memory_space<vmem_shared>>, %arg12: memref<!tpu.dma_semaphore, #tpu.memory_space<semaphore_mem>>, %arg13: memref<!tpu.dma_semaphore, #tpu.memory_space<semaphore_mem>>) attributes {dimension_semantics = [#tpu.dimension_semantics<core_parallel>, #tpu.dimension_semantics<subcore_parallel>], iteration_bounds = array<i64: 2, 16>, scalar_prefetch = 0 : i64, scratch_operands = 7 : i64, tpu.core_type = #tpu.core_type<sc_vector_subcore>, window_params = [{transform_indices = #map}, {transform_indices = #map1}, {transform_indices = #map1}, {transform_indices = #map}, {transform_indices = #map1}]} {
    %mul3A = arith.constant 16 : i32
    %mul3A_0 = arith.muli %arg0, %mul3A : i32
    %add3A = arith.addi %mul3A_0, %arg1 : i32
    %mul3A_1 = arith.constant 640 : i32
    %mul3A_2 = arith.muli %arg1, %mul3A_1 : i32
    "tpu.region"() ({
      %run_scoped3A = tpu.sem_alloc : memref<!tpu.dma_semaphore, #tpu.memory_space<semaphore_mem>>
      %dma_start3A_15 = arith.constant 0 : i32
      %dma_start3A_16 = tpu.memref_slice %arg11[%mul3A_2, %dma_start3A_15] : memref<10240x128xbf16, #tpu.memory_space<vmem_shared>> -> memref<640x128xbf16, #tpu.memory_space<vmem_shared>>
      %dma_start3A_17 = arith.constant 0 : i32
      %dma_start3A_18 = tpu.memref_slice %arg5[%mul3A_2, %dma_start3A_17] : memref<10240x128xbf16, #tpu.memory_space<hbm>> -> memref<640x128xbf16, #tpu.memory_space<hbm>>
      tpu.enqueue_dma source(%dma_start3A_18 : memref<640x128xbf16, #tpu.memory_space<hbm>>) target(%dma_start3A_16 : memref<640x128xbf16, #tpu.memory_space<vmem_shared>>) target_semaphore(%run_scoped3A : memref<!tpu.dma_semaphore, #tpu.memory_space<semaphore_mem>>)
      %dma_wait3A = arith.constant 0 : i32
      %dma_wait3A_19 = tpu.memref_slice %arg11[%mul3A_2, %dma_wait3A] : memref<10240x128xbf16, #tpu.memory_space<vmem_shared>> -> memref<640x128xbf16, #tpu.memory_space<vmem_shared>>
      %dma_wait3A_20 = arith.constant 0 : i32
      %dma_wait3A_21 = tpu.memref_slice %arg5[%mul3A_2, %dma_wait3A_20] : memref<10240x128xbf16, #tpu.memory_space<hbm>> -> memref<640x128xbf16, #tpu.memory_space<hbm>>
      tpu.wait_dma2 semaphore(%run_scoped3A : memref<!tpu.dma_semaphore, #tpu.memory_space<semaphore_mem>>) src(%dma_wait3A_21 : memref<640x128xbf16, #tpu.memory_space<hbm>>) dst(%dma_wait3A_19 : memref<640x128xbf16, #tpu.memory_space<vmem_shared>>)
      tpu.yield
    }) : () -> ()
    "tpu.region"() ({
      %run_scoped3A = tpu.sem_alloc : memref<!tpu.dma_semaphore, #tpu.memory_space<semaphore_mem>>
      %dma_start3A_15 = arith.constant 0 : i32
      %dma_start3A_16 = arith.constant 0 : i32
      %dma_start3A_17 = tpu.memref_slice %arg3[%add3A, %dma_start3A_15, %dma_start3A_16] : memref<32x40x125xi32, #tpu.memory_space<hbm>> -> memref<1x40x125xi32, #tpu.memory_space<hbm>>
      %dma_start3A_18 = tpu.memref_squeeze %dma_start3A_17 : memref<1x40x125xi32, #tpu.memory_space<hbm>> -> memref<40x125xi32, #tpu.memory_space<hbm>>
      %dma_start3A_19 = arith.constant 0 : i32
      %dma_start3A_20 = arith.constant 0 : i32
      %dma_start3A_21 = tpu.memref_slice %arg3[%add3A, %dma_start3A_19, %dma_start3A_20] : memref<32x40x125xi32, #tpu.memory_space<hbm>> -> memref<1x40x125xi32, #tpu.memory_space<hbm>>
      %dma_start3A_22 = tpu.memref_squeeze %dma_start3A_21 : memref<1x40x125xi32, #tpu.memory_space<hbm>> -> memref<40x125xi32, #tpu.memory_space<hbm>>
      tpu.enqueue_dma source(%dma_start3A_22 : memref<40x125xi32, #tpu.memory_space<hbm>>) target(%arg7 : memref<40x125xi32, #tpu.memory_space<vmem>>) target_semaphore(%run_scoped3A : memref<!tpu.dma_semaphore, #tpu.memory_space<semaphore_mem>>)
      %dma_wait3A = arith.constant 0 : i32
      %dma_wait3A_23 = arith.constant 0 : i32
      %dma_wait3A_24 = tpu.memref_slice %arg3[%add3A, %dma_wait3A, %dma_wait3A_23] : memref<32x40x125xi32, #tpu.memory_space<hbm>> -> memref<1x40x125xi32, #tpu.memory_space<hbm>>
      %dma_wait3A_25 = tpu.memref_squeeze %dma_wait3A_24 : memref<1x40x125xi32, #tpu.memory_space<hbm>> -> memref<40x125xi32, #tpu.memory_space<hbm>>
      %dma_wait3A_26 = arith.constant 0 : i32
      %dma_wait3A_27 = arith.constant 0 : i32
      %dma_wait3A_28 = tpu.memref_slice %arg3[%add3A, %dma_wait3A_26, %dma_wait3A_27] : memref<32x40x125xi32, #tpu.memory_space<hbm>> -> memref<1x40x125xi32, #tpu.memory_space<hbm>>
      %dma_wait3A_29 = tpu.memref_squeeze %dma_wait3A_28 : memref<1x40x125xi32, #tpu.memory_space<hbm>> -> memref<40x125xi32, #tpu.memory_space<hbm>>
      tpu.wait_dma2 semaphore(%run_scoped3A : memref<!tpu.dma_semaphore, #tpu.memory_space<semaphore_mem>>) src(%dma_wait3A_29 : memref<40x125xi32, #tpu.memory_space<hbm>>) dst(%arg7 : memref<40x125xi32, #tpu.memory_space<vmem>>)
      tpu.yield
    }) : () -> ()
    "tpu.region"() ({
      %run_scoped3A = tpu.sem_alloc : memref<!tpu.dma_semaphore, #tpu.memory_space<semaphore_mem>>
      %dma_start3A_15 = arith.constant 0 : i32
      %dma_start3A_16 = arith.constant 0 : i32
      %dma_start3A_17 = tpu.memref_slice %arg4[%add3A, %dma_start3A_15, %dma_start3A_16] : memref<32x40x125xi32, #tpu.memory_space<hbm>> -> memref<1x40x125xi32, #tpu.memory_space<hbm>>
      %dma_start3A_18 = tpu.memref_squeeze %dma_start3A_17 : memref<1x40x125xi32, #tpu.memory_space<hbm>> -> memref<40x125xi32, #tpu.memory_space<hbm>>
      %dma_start3A_19 = arith.constant 0 : i32
      %dma_start3A_20 = arith.constant 0 : i32
      %dma_start3A_21 = tpu.memref_slice %arg4[%add3A, %dma_start3A_19, %dma_start3A_20] : memref<32x40x125xi32, #tpu.memory_space<hbm>> -> memref<1x40x125xi32, #tpu.memory_space<hbm>>
      %dma_start3A_22 = tpu.memref_squeeze %dma_start3A_21 : memref<1x40x125xi32, #tpu.memory_space<hbm>> -> memref<40x125xi32, #tpu.memory_space<hbm>>
      tpu.enqueue_dma source(%dma_start3A_22 : memref<40x125xi32, #tpu.memory_space<hbm>>) target(%arg8 : memref<40x125xi32, #tpu.memory_space<vmem>>) target_semaphore(%run_scoped3A : memref<!tpu.dma_semaphore, #tpu.memory_space<semaphore_mem>>)
      %dma_wait3A = arith.constant 0 : i32
      %dma_wait3A_23 = arith.constant 0 : i32
      %dma_wait3A_24 = tpu.memref_slice %arg4[%add3A, %dma_wait3A, %dma_wait3A_23] : memref<32x40x125xi32, #tpu.memory_space<hbm>> -> memref<1x40x125xi32, #tpu.memory_space<hbm>>
      %dma_wait3A_25 = tpu.memref_squeeze %dma_wait3A_24 : memref<1x40x125xi32, #tpu.memory_space<hbm>> -> memref<40x125xi32, #tpu.memory_space<hbm>>
      %dma_wait3A_26 = arith.constant 0 : i32
      %dma_wait3A_27 = arith.constant 0 : i32
      %dma_wait3A_28 = tpu.memref_slice %arg4[%add3A, %dma_wait3A_26, %dma_wait3A_27] : memref<32x40x125xi32, #tpu.memory_space<hbm>> -> memref<1x40x125xi32, #tpu.memory_space<hbm>>
      %dma_wait3A_29 = tpu.memref_squeeze %dma_wait3A_28 : memref<1x40x125xi32, #tpu.memory_space<hbm>> -> memref<40x125xi32, #tpu.memory_space<hbm>>
      tpu.wait_dma2 semaphore(%run_scoped3A : memref<!tpu.dma_semaphore, #tpu.memory_space<semaphore_mem>>) src(%dma_wait3A_29 : memref<40x125xi32, #tpu.memory_space<hbm>>) dst(%arg8 : memref<40x125xi32, #tpu.memory_space<vmem>>)
      tpu.yield
    }) : () -> ()
    %barrier3A = arith.constant 0 : index
    tpu.barrier barrier_id(%barrier3A)
    %dma_start3A = arith.constant 0 : i32
    %dma_start3A_3 = arith.constant 0 : i32
    %dma_start3A_4 = tpu.memref_slice %arg7[%dma_start3A, %dma_start3A_3] : memref<40x125xi32, #tpu.memory_space<vmem>> -> memref<1x125xi32, #tpu.memory_space<vmem>>
    %dma_start3A_5 = tpu.memref_squeeze %dma_start3A_4 : memref<1x125xi32, #tpu.memory_space<vmem>> -> memref<125xi32, #tpu.memory_space<vmem>>
    %dma_start3A_6 = arith.constant 0 : i32
    %dma_start3A_7 = arith.constant 0 : i32
    %dma_start3A_8 = tpu.memref_slice %arg2[%dma_start3A_6, %dma_start3A_7] : memref<10000x128xbf16, #tpu.memory_space<hbm>> -> memref<10000x128xbf16, #tpu.memory_space<hbm>>
    tpu.enqueue_indirect_dma source(%dma_start3A_8 : memref<10000x128xbf16, #tpu.memory_space<hbm>>) target(%arg9 : memref<125x128xbf16, #tpu.memory_space<vmem>>) offsets(%dma_start3A_5 : memref<125xi32, #tpu.memory_space<vmem>>) semaphore(%arg12 : memref<!tpu.dma_semaphore, #tpu.memory_space<semaphore_mem>>)
    %scan3A = arith.constant 0 : i32
    %scan3A_9 = arith.constant 0 : i32
    %scan3A_10 = arith.constant 20 : i32
    %scan3A_11 = arith.addi %scan3A_9, %scan3A_10 : i32
    %scan3A_12 = arith.constant 1 : i32
    scf.for %scan3A_15 = %scan3A_9 to %scan3A_11 step %scan3A_12  : i32 {
      %mul3A_16 = arith.constant 2 : i32
      %mul3A_17 = arith.muli %mul3A_16, %scan3A_15 : i32
      %add3A_18 = arith.constant 1 : i32
      %add3A_19 = arith.addi %mul3A_17, %add3A_18 : i32
      %dma_start3A_20 = arith.constant 0 : i32
      %dma_start3A_21 = tpu.memref_slice %arg7[%add3A_19, %dma_start3A_20] : memref<40x125xi32, #tpu.memory_space<vmem>> -> memref<1x125xi32, #tpu.memory_space<vmem>>
      %dma_start3A_22 = tpu.memref_squeeze %dma_start3A_21 : memref<1x125xi32, #tpu.memory_space<vmem>> -> memref<125xi32, #tpu.memory_space<vmem>>
      %dma_start3A_23 = arith.constant 0 : i32
      %dma_start3A_24 = arith.constant 0 : i32
      %dma_start3A_25 = tpu.memref_slice %arg2[%dma_start3A_23, %dma_start3A_24] : memref<10000x128xbf16, #tpu.memory_space<hbm>> -> memref<10000x128xbf16, #tpu.memory_space<hbm>>
      tpu.enqueue_indirect_dma source(%dma_start3A_25 : memref<10000x128xbf16, #tpu.memory_space<hbm>>) target(%arg10 : memref<125x128xbf16, #tpu.memory_space<vmem>>) offsets(%dma_start3A_22 : memref<125xi32, #tpu.memory_space<vmem>>) semaphore(%arg13 : memref<!tpu.dma_semaphore, #tpu.memory_space<semaphore_mem>>)
      %dma_wait3A = arith.constant 0 : i32
      %dma_wait3A_26 = tpu.memref_slice %arg7[%mul3A_17, %dma_wait3A] : memref<40x125xi32, #tpu.memory_space<vmem>> -> memref<1x125xi32, #tpu.memory_space<vmem>>
      %dma_wait3A_27 = tpu.memref_squeeze %dma_wait3A_26 : memref<1x125xi32, #tpu.memory_space<vmem>> -> memref<125xi32, #tpu.memory_space<vmem>>
      %dma_wait3A_28 = arith.constant 0 : i32
      %dma_wait3A_29 = arith.constant 0 : i32
      %dma_wait3A_30 = tpu.memref_slice %arg2[%dma_wait3A_28, %dma_wait3A_29] : memref<10000x128xbf16, #tpu.memory_space<hbm>> -> memref<10000x128xbf16, #tpu.memory_space<hbm>>
      tpu.wait_indirect_dma semaphore(%arg12 : memref<!tpu.dma_semaphore, #tpu.memory_space<semaphore_mem>>) src(%dma_wait3A_30 : memref<10000x128xbf16, #tpu.memory_space<hbm>>) dst(%arg9 : memref<125x128xbf16, #tpu.memory_space<vmem>>)
      "tpu.region"() ({
        %run_scoped3A = tpu.sem_alloc : memref<!tpu.dma_semaphore, #tpu.memory_space<semaphore_mem>>
        %dma_start3A_43 = arith.constant 0 : i32
        %dma_start3A_44 = tpu.memref_slice %arg8[%mul3A_17, %dma_start3A_43] : memref<40x125xi32, #tpu.memory_space<vmem>> -> memref<1x125xi32, #tpu.memory_space<vmem>>
        %dma_start3A_45 = tpu.memref_squeeze %dma_start3A_44 : memref<1x125xi32, #tpu.memory_space<vmem>> -> memref<125xi32, #tpu.memory_space<vmem>>
        %dma_start3A_46 = arith.constant 0 : i32
        %dma_start3A_47 = arith.constant 0 : i32
        %dma_start3A_48 = tpu.memref_slice %arg11[%dma_start3A_46, %dma_start3A_47] : memref<10240x128xbf16, #tpu.memory_space<vmem_shared>> -> memref<10240x128xbf16, #tpu.memory_space<vmem_shared>>
        tpu.enqueue_indirect_dma source(%arg9 : memref<125x128xbf16, #tpu.memory_space<vmem>>) target(%dma_start3A_48 : memref<10240x128xbf16, #tpu.memory_space<vmem_shared>>) offsets(%dma_start3A_45 : memref<125xi32, #tpu.memory_space<vmem>>) semaphore(%run_scoped3A : memref<!tpu.dma_semaphore, #tpu.memory_space<semaphore_mem>>) {add = true}
        %dma_wait3A_49 = arith.constant 0 : i32
        %dma_wait3A_50 = tpu.memref_slice %arg8[%mul3A_17, %dma_wait3A_49] : memref<40x125xi32, #tpu.memory_space<vmem>> -> memref<1x125xi32, #tpu.memory_space<vmem>>
        %dma_wait3A_51 = tpu.memref_squeeze %dma_wait3A_50 : memref<1x125xi32, #tpu.memory_space<vmem>> -> memref<125xi32, #tpu.memory_space<vmem>>
        %dma_wait3A_52 = arith.constant 0 : i32
        %dma_wait3A_53 = arith.constant 0 : i32
        %dma_wait3A_54 = tpu.memref_slice %arg11[%dma_wait3A_52, %dma_wait3A_53] : memref<10240x128xbf16, #tpu.memory_space<vmem_shared>> -> memref<10240x128xbf16, #tpu.memory_space<vmem_shared>>
        tpu.wait_indirect_dma semaphore(%run_scoped3A : memref<!tpu.dma_semaphore, #tpu.memory_space<semaphore_mem>>) src(%arg9 : memref<125x128xbf16, #tpu.memory_space<vmem>>) dst(%dma_wait3A_54 : memref<10240x128xbf16, #tpu.memory_space<vmem_shared>>)
        tpu.yield
      }) : () -> ()
      %lt3A = arith.constant 19 : i32
      %lt3A_31 = arith.cmpi slt, %scan3A_15, %lt3A : i32
      %convert_element_type3A = arith.extui %lt3A_31 : i1 to i32
      %cond3A = arith.constant 0 : i32
      %cond3A_32 = arith.cmpi ne, %convert_element_type3A, %cond3A : i32
      scf.if %cond3A_32 {
        %add3A_43 = arith.constant 2 : i32
        %add3A_44 = arith.addi %mul3A_17, %add3A_43 : i32
        %dma_start3A_45 = arith.constant 0 : i32
        %dma_start3A_46 = tpu.memref_slice %arg7[%add3A_44, %dma_start3A_45] : memref<40x125xi32, #tpu.memory_space<vmem>> -> memref<1x125xi32, #tpu.memory_space<vmem>>
        %dma_start3A_47 = tpu.memref_squeeze %dma_start3A_46 : memref<1x125xi32, #tpu.memory_space<vmem>> -> memref<125xi32, #tpu.memory_space<vmem>>
        %dma_start3A_48 = arith.constant 0 : i32
        %dma_start3A_49 = arith.constant 0 : i32
        %dma_start3A_50 = tpu.memref_slice %arg2[%dma_start3A_48, %dma_start3A_49] : memref<10000x128xbf16, #tpu.memory_space<hbm>> -> memref<10000x128xbf16, #tpu.memory_space<hbm>>
        tpu.enqueue_indirect_dma source(%dma_start3A_50 : memref<10000x128xbf16, #tpu.memory_space<hbm>>) target(%arg9 : memref<125x128xbf16, #tpu.memory_space<vmem>>) offsets(%dma_start3A_47 : memref<125xi32, #tpu.memory_space<vmem>>) semaphore(%arg12 : memref<!tpu.dma_semaphore, #tpu.memory_space<semaphore_mem>>)
      } else {
      }
      %add3A_33 = arith.constant 1 : i32
      %add3A_34 = arith.addi %mul3A_17, %add3A_33 : i32
      %dma_wait3A_35 = arith.constant 0 : i32
      %dma_wait3A_36 = tpu.memref_slice %arg7[%add3A_34, %dma_wait3A_35] : memref<40x125xi32, #tpu.memory_space<vmem>> -> memref<1x125xi32, #tpu.memory_space<vmem>>
      %dma_wait3A_37 = tpu.memref_squeeze %dma_wait3A_36 : memref<1x125xi32, #tpu.memory_space<vmem>> -> memref<125xi32, #tpu.memory_space<vmem>>
      %dma_wait3A_38 = arith.constant 0 : i32
      %dma_wait3A_39 = arith.constant 0 : i32
      %dma_wait3A_40 = tpu.memref_slice %arg2[%dma_wait3A_38, %dma_wait3A_39] : memref<10000x128xbf16, #tpu.memory_space<hbm>> -> memref<10000x128xbf16, #tpu.memory_space<hbm>>
      tpu.wait_indirect_dma semaphore(%arg13 : memref<!tpu.dma_semaphore, #tpu.memory_space<semaphore_mem>>) src(%dma_wait3A_40 : memref<10000x128xbf16, #tpu.memory_space<hbm>>) dst(%arg10 : memref<125x128xbf16, #tpu.memory_space<vmem>>)
      %add3A_41 = arith.constant 1 : i32
      %add3A_42 = arith.addi %mul3A_17, %add3A_41 : i32
      "tpu.region"() ({
        %run_scoped3A = tpu.sem_alloc : memref<!tpu.dma_semaphore, #tpu.memory_space<semaphore_mem>>
        %dma_start3A_43 = arith.constant 0 : i32
        %dma_start3A_44 = tpu.memref_slice %arg8[%add3A_42, %dma_start3A_43] : memref<40x125xi32, #tpu.memory_space<vmem>> -> memref<1x125xi32, #tpu.memory_space<vmem>>
        %dma_start3A_45 = tpu.memref_squeeze %dma_start3A_44 : memref<1x125xi32, #tpu.memory_space<vmem>> -> memref<125xi32, #tpu.memory_space<vmem>>
        %dma_start3A_46 = arith.constant 0 : i32
        %dma_start3A_47 = arith.constant 0 : i32
        %dma_start3A_48 = tpu.memref_slice %arg11[%dma_start3A_46, %dma_start3A_47] : memref<10240x128xbf16, #tpu.memory_space<vmem_shared>> -> memref<10240x128xbf16, #tpu.memory_space<vmem_shared>>
        tpu.enqueue_indirect_dma source(%arg10 : memref<125x128xbf16, #tpu.memory_space<vmem>>) target(%dma_start3A_48 : memref<10240x128xbf16, #tpu.memory_space<vmem_shared>>) offsets(%dma_start3A_45 : memref<125xi32, #tpu.memory_space<vmem>>) semaphore(%run_scoped3A : memref<!tpu.dma_semaphore, #tpu.memory_space<semaphore_mem>>) {add = true}
        %dma_wait3A_49 = arith.constant 0 : i32
        %dma_wait3A_50 = tpu.memref_slice %arg8[%add3A_42, %dma_wait3A_49] : memref<40x125xi32, #tpu.memory_space<vmem>> -> memref<1x125xi32, #tpu.memory_space<vmem>>
        %dma_wait3A_51 = tpu.memref_squeeze %dma_wait3A_50 : memref<1x125xi32, #tpu.memory_space<vmem>> -> memref<125xi32, #tpu.memory_space<vmem>>
        %dma_wait3A_52 = arith.constant 0 : i32
        %dma_wait3A_53 = arith.constant 0 : i32
        %dma_wait3A_54 = tpu.memref_slice %arg11[%dma_wait3A_52, %dma_wait3A_53] : memref<10240x128xbf16, #tpu.memory_space<vmem_shared>> -> memref<10240x128xbf16, #tpu.memory_space<vmem_shared>>
        tpu.wait_indirect_dma semaphore(%run_scoped3A : memref<!tpu.dma_semaphore, #tpu.memory_space<semaphore_mem>>) src(%arg10 : memref<125x128xbf16, #tpu.memory_space<vmem>>) dst(%dma_wait3A_54 : memref<10240x128xbf16, #tpu.memory_space<vmem_shared>>)
        tpu.yield
      }) : () -> ()
    }
    %scan3A_13 = arith.constant 20 : i32
    %barrier3A_14 = arith.constant 0 : index
    tpu.barrier barrier_id(%barrier3A_14)
    "tpu.region"() ({
      %run_scoped3A = tpu.sem_alloc : memref<!tpu.dma_semaphore, #tpu.memory_space<semaphore_mem>>
      %dma_start3A_15 = arith.constant 0 : i32
      %dma_start3A_16 = tpu.memref_slice %arg6[%arg0, %mul3A_2, %dma_start3A_15] : memref<2x10240x128xbf16, #tpu.memory_space<hbm>> -> memref<1x640x128xbf16, #tpu.memory_space<hbm>>
      %dma_start3A_17 = tpu.memref_squeeze %dma_start3A_16 : memref<1x640x128xbf16, #tpu.memory_space<hbm>> -> memref<640x128xbf16, #tpu.memory_space<hbm>>
      %dma_start3A_18 = arith.constant 0 : i32
      %dma_start3A_19 = tpu.memref_slice %arg11[%mul3A_2, %dma_start3A_18] : memref<10240x128xbf16, #tpu.memory_space<vmem_shared>> -> memref<640x128xbf16, #tpu.memory_space<vmem_shared>>
      tpu.enqueue_dma source(%dma_start3A_19 : memref<640x128xbf16, #tpu.memory_space<vmem_shared>>) target(%dma_start3A_17 : memref<640x128xbf16, #tpu.memory_space<hbm>>) target_semaphore(%run_scoped3A : memref<!tpu.dma_semaphore, #tpu.memory_space<semaphore_mem>>)
      %dma_wait3A = arith.constant 0 : i32
      %dma_wait3A_20 = tpu.memref_slice %arg6[%arg0, %mul3A_2, %dma_wait3A] : memref<2x10240x128xbf16, #tpu.memory_space<hbm>> -> memref<1x640x128xbf16, #tpu.memory_space<hbm>>
      %dma_wait3A_21 = tpu.memref_squeeze %dma_wait3A_20 : memref<1x640x128xbf16, #tpu.memory_space<hbm>> -> memref<640x128xbf16, #tpu.memory_space<hbm>>
      %dma_wait3A_22 = arith.constant 0 : i32
      %dma_wait3A_23 = tpu.memref_slice %arg11[%mul3A_2, %dma_wait3A_22] : memref<10240x128xbf16, #tpu.memory_space<vmem_shared>> -> memref<640x128xbf16, #tpu.memory_space<vmem_shared>>
      tpu.wait_dma2 semaphore(%run_scoped3A : memref<!tpu.dma_semaphore, #tpu.memory_space<semaphore_mem>>) src(%dma_wait3A_23 : memref<640x128xbf16, #tpu.memory_space<vmem_shared>>) dst(%dma_wait3A_21 : memref<640x128xbf16, #tpu.memory_space<hbm>>)
      tpu.yield
    }) : () -> ()
    return
  }
}

#map = affine_map<(d0, d1) -> (0, 0)>
#map1 = affine_map<(d0, d1) -> (0, 0, 0)>
module attributes {stable_mosaic.version = 14 : i64} {
  func.func @_segsum_body(%arg0: i32, %arg1: i32, %arg2: memref<10000x32xbf16, #tpu.memory_space<hbm>>, %arg3: memref<32x40x125xi32, #tpu.memory_space<hbm>>, %arg4: memref<32x40x125xi32, #tpu.memory_space<hbm>>, %arg5: memref<10240x32xbf16, #tpu.memory_space<hbm>>, %arg6: memref<2x10240x32xbf16, #tpu.memory_space<hbm>>, %arg7: memref<40x125xi32, #tpu.memory_space<vmem>>, %arg8: memref<40x125xi32, #tpu.memory_space<vmem>>, %arg9: memref<125x32xbf16, #tpu.memory_space<vmem>>, %arg10: memref<125x32xbf16, #tpu.memory_space<vmem>>, %arg11: memref<10240x32xbf16, #tpu.memory_space<vmem_shared>>, %arg12: memref<!tpu.dma_semaphore, #tpu.memory_space<semaphore_mem>>, %arg13: memref<!tpu.dma_semaphore, #tpu.memory_space<semaphore_mem>>) attributes {dimension_semantics = [#tpu.dimension_semantics<core_parallel>, #tpu.dimension_semantics<subcore_parallel>], iteration_bounds = array<i64: 2, 16>, scalar_prefetch = 0 : i64, scratch_operands = 7 : i64, tpu.core_type = #tpu.core_type<sc_vector_subcore>, window_params = [{transform_indices = #map}, {transform_indices = #map1}, {transform_indices = #map1}, {transform_indices = #map}, {transform_indices = #map1}]} {
    %mul3A = arith.constant 16 : i32
    %mul3A_0 = arith.muli %arg0, %mul3A : i32
    %add3A = arith.addi %mul3A_0, %arg1 : i32
    %mul3A_1 = arith.constant 640 : i32
    %mul3A_2 = arith.muli %arg1, %mul3A_1 : i32
    "tpu.region"() ({
      %run_scoped3A = tpu.sem_alloc : memref<!tpu.dma_semaphore, #tpu.memory_space<semaphore_mem>>
      %dma_start3A_15 = arith.constant 0 : i32
      %dma_start3A_16 = tpu.memref_slice %arg11[%mul3A_2, %dma_start3A_15] : memref<10240x32xbf16, #tpu.memory_space<vmem_shared>> -> memref<640x32xbf16, #tpu.memory_space<vmem_shared>>
      %dma_start3A_17 = arith.constant 0 : i32
      %dma_start3A_18 = tpu.memref_slice %arg5[%mul3A_2, %dma_start3A_17] : memref<10240x32xbf16, #tpu.memory_space<hbm>> -> memref<640x32xbf16, #tpu.memory_space<hbm>>
      tpu.enqueue_dma source(%dma_start3A_18 : memref<640x32xbf16, #tpu.memory_space<hbm>>) target(%dma_start3A_16 : memref<640x32xbf16, #tpu.memory_space<vmem_shared>>) target_semaphore(%run_scoped3A : memref<!tpu.dma_semaphore, #tpu.memory_space<semaphore_mem>>)
      %dma_wait3A = arith.constant 0 : i32
      %dma_wait3A_19 = tpu.memref_slice %arg11[%mul3A_2, %dma_wait3A] : memref<10240x32xbf16, #tpu.memory_space<vmem_shared>> -> memref<640x32xbf16, #tpu.memory_space<vmem_shared>>
      %dma_wait3A_20 = arith.constant 0 : i32
      %dma_wait3A_21 = tpu.memref_slice %arg5[%mul3A_2, %dma_wait3A_20] : memref<10240x32xbf16, #tpu.memory_space<hbm>> -> memref<640x32xbf16, #tpu.memory_space<hbm>>
      tpu.wait_dma2 semaphore(%run_scoped3A : memref<!tpu.dma_semaphore, #tpu.memory_space<semaphore_mem>>) src(%dma_wait3A_21 : memref<640x32xbf16, #tpu.memory_space<hbm>>) dst(%dma_wait3A_19 : memref<640x32xbf16, #tpu.memory_space<vmem_shared>>)
      tpu.yield
    }) : () -> ()
    "tpu.region"() ({
      %run_scoped3A = tpu.sem_alloc : memref<!tpu.dma_semaphore, #tpu.memory_space<semaphore_mem>>
      %dma_start3A_15 = arith.constant 0 : i32
      %dma_start3A_16 = arith.constant 0 : i32
      %dma_start3A_17 = tpu.memref_slice %arg3[%add3A, %dma_start3A_15, %dma_start3A_16] : memref<32x40x125xi32, #tpu.memory_space<hbm>> -> memref<1x40x125xi32, #tpu.memory_space<hbm>>
      %dma_start3A_18 = tpu.memref_squeeze %dma_start3A_17 : memref<1x40x125xi32, #tpu.memory_space<hbm>> -> memref<40x125xi32, #tpu.memory_space<hbm>>
      %dma_start3A_19 = arith.constant 0 : i32
      %dma_start3A_20 = arith.constant 0 : i32
      %dma_start3A_21 = tpu.memref_slice %arg3[%add3A, %dma_start3A_19, %dma_start3A_20] : memref<32x40x125xi32, #tpu.memory_space<hbm>> -> memref<1x40x125xi32, #tpu.memory_space<hbm>>
      %dma_start3A_22 = tpu.memref_squeeze %dma_start3A_21 : memref<1x40x125xi32, #tpu.memory_space<hbm>> -> memref<40x125xi32, #tpu.memory_space<hbm>>
      tpu.enqueue_dma source(%dma_start3A_22 : memref<40x125xi32, #tpu.memory_space<hbm>>) target(%arg7 : memref<40x125xi32, #tpu.memory_space<vmem>>) target_semaphore(%run_scoped3A : memref<!tpu.dma_semaphore, #tpu.memory_space<semaphore_mem>>)
      %dma_wait3A = arith.constant 0 : i32
      %dma_wait3A_23 = arith.constant 0 : i32
      %dma_wait3A_24 = tpu.memref_slice %arg3[%add3A, %dma_wait3A, %dma_wait3A_23] : memref<32x40x125xi32, #tpu.memory_space<hbm>> -> memref<1x40x125xi32, #tpu.memory_space<hbm>>
      %dma_wait3A_25 = tpu.memref_squeeze %dma_wait3A_24 : memref<1x40x125xi32, #tpu.memory_space<hbm>> -> memref<40x125xi32, #tpu.memory_space<hbm>>
      %dma_wait3A_26 = arith.constant 0 : i32
      %dma_wait3A_27 = arith.constant 0 : i32
      %dma_wait3A_28 = tpu.memref_slice %arg3[%add3A, %dma_wait3A_26, %dma_wait3A_27] : memref<32x40x125xi32, #tpu.memory_space<hbm>> -> memref<1x40x125xi32, #tpu.memory_space<hbm>>
      %dma_wait3A_29 = tpu.memref_squeeze %dma_wait3A_28 : memref<1x40x125xi32, #tpu.memory_space<hbm>> -> memref<40x125xi32, #tpu.memory_space<hbm>>
      tpu.wait_dma2 semaphore(%run_scoped3A : memref<!tpu.dma_semaphore, #tpu.memory_space<semaphore_mem>>) src(%dma_wait3A_29 : memref<40x125xi32, #tpu.memory_space<hbm>>) dst(%arg7 : memref<40x125xi32, #tpu.memory_space<vmem>>)
      tpu.yield
    }) : () -> ()
    "tpu.region"() ({
      %run_scoped3A = tpu.sem_alloc : memref<!tpu.dma_semaphore, #tpu.memory_space<semaphore_mem>>
      %dma_start3A_15 = arith.constant 0 : i32
      %dma_start3A_16 = arith.constant 0 : i32
      %dma_start3A_17 = tpu.memref_slice %arg4[%add3A, %dma_start3A_15, %dma_start3A_16] : memref<32x40x125xi32, #tpu.memory_space<hbm>> -> memref<1x40x125xi32, #tpu.memory_space<hbm>>
      %dma_start3A_18 = tpu.memref_squeeze %dma_start3A_17 : memref<1x40x125xi32, #tpu.memory_space<hbm>> -> memref<40x125xi32, #tpu.memory_space<hbm>>
      %dma_start3A_19 = arith.constant 0 : i32
      %dma_start3A_20 = arith.constant 0 : i32
      %dma_start3A_21 = tpu.memref_slice %arg4[%add3A, %dma_start3A_19, %dma_start3A_20] : memref<32x40x125xi32, #tpu.memory_space<hbm>> -> memref<1x40x125xi32, #tpu.memory_space<hbm>>
      %dma_start3A_22 = tpu.memref_squeeze %dma_start3A_21 : memref<1x40x125xi32, #tpu.memory_space<hbm>> -> memref<40x125xi32, #tpu.memory_space<hbm>>
      tpu.enqueue_dma source(%dma_start3A_22 : memref<40x125xi32, #tpu.memory_space<hbm>>) target(%arg8 : memref<40x125xi32, #tpu.memory_space<vmem>>) target_semaphore(%run_scoped3A : memref<!tpu.dma_semaphore, #tpu.memory_space<semaphore_mem>>)
      %dma_wait3A = arith.constant 0 : i32
      %dma_wait3A_23 = arith.constant 0 : i32
      %dma_wait3A_24 = tpu.memref_slice %arg4[%add3A, %dma_wait3A, %dma_wait3A_23] : memref<32x40x125xi32, #tpu.memory_space<hbm>> -> memref<1x40x125xi32, #tpu.memory_space<hbm>>
      %dma_wait3A_25 = tpu.memref_squeeze %dma_wait3A_24 : memref<1x40x125xi32, #tpu.memory_space<hbm>> -> memref<40x125xi32, #tpu.memory_space<hbm>>
      %dma_wait3A_26 = arith.constant 0 : i32
      %dma_wait3A_27 = arith.constant 0 : i32
      %dma_wait3A_28 = tpu.memref_slice %arg4[%add3A, %dma_wait3A_26, %dma_wait3A_27] : memref<32x40x125xi32, #tpu.memory_space<hbm>> -> memref<1x40x125xi32, #tpu.memory_space<hbm>>
      %dma_wait3A_29 = tpu.memref_squeeze %dma_wait3A_28 : memref<1x40x125xi32, #tpu.memory_space<hbm>> -> memref<40x125xi32, #tpu.memory_space<hbm>>
      tpu.wait_dma2 semaphore(%run_scoped3A : memref<!tpu.dma_semaphore, #tpu.memory_space<semaphore_mem>>) src(%dma_wait3A_29 : memref<40x125xi32, #tpu.memory_space<hbm>>) dst(%arg8 : memref<40x125xi32, #tpu.memory_space<vmem>>)
      tpu.yield
    }) : () -> ()
    %barrier3A = arith.constant 0 : index
    tpu.barrier barrier_id(%barrier3A)
    %dma_start3A = arith.constant 0 : i32
    %dma_start3A_3 = arith.constant 0 : i32
    %dma_start3A_4 = tpu.memref_slice %arg7[%dma_start3A, %dma_start3A_3] : memref<40x125xi32, #tpu.memory_space<vmem>> -> memref<1x125xi32, #tpu.memory_space<vmem>>
    %dma_start3A_5 = tpu.memref_squeeze %dma_start3A_4 : memref<1x125xi32, #tpu.memory_space<vmem>> -> memref<125xi32, #tpu.memory_space<vmem>>
    %dma_start3A_6 = arith.constant 0 : i32
    %dma_start3A_7 = arith.constant 0 : i32
    %dma_start3A_8 = tpu.memref_slice %arg2[%dma_start3A_6, %dma_start3A_7] : memref<10000x32xbf16, #tpu.memory_space<hbm>> -> memref<10000x32xbf16, #tpu.memory_space<hbm>>
    tpu.enqueue_indirect_dma source(%dma_start3A_8 : memref<10000x32xbf16, #tpu.memory_space<hbm>>) target(%arg9 : memref<125x32xbf16, #tpu.memory_space<vmem>>) offsets(%dma_start3A_5 : memref<125xi32, #tpu.memory_space<vmem>>) semaphore(%arg12 : memref<!tpu.dma_semaphore, #tpu.memory_space<semaphore_mem>>)
    %scan3A = arith.constant 0 : i32
    %scan3A_9 = arith.constant 0 : i32
    %scan3A_10 = arith.constant 20 : i32
    %scan3A_11 = arith.addi %scan3A_9, %scan3A_10 : i32
    %scan3A_12 = arith.constant 1 : i32
    scf.for %scan3A_15 = %scan3A_9 to %scan3A_11 step %scan3A_12  : i32 {
      %mul3A_16 = arith.constant 2 : i32
      %mul3A_17 = arith.muli %mul3A_16, %scan3A_15 : i32
      %add3A_18 = arith.constant 1 : i32
      %add3A_19 = arith.addi %mul3A_17, %add3A_18 : i32
      %dma_start3A_20 = arith.constant 0 : i32
      %dma_start3A_21 = tpu.memref_slice %arg7[%add3A_19, %dma_start3A_20] : memref<40x125xi32, #tpu.memory_space<vmem>> -> memref<1x125xi32, #tpu.memory_space<vmem>>
      %dma_start3A_22 = tpu.memref_squeeze %dma_start3A_21 : memref<1x125xi32, #tpu.memory_space<vmem>> -> memref<125xi32, #tpu.memory_space<vmem>>
      %dma_start3A_23 = arith.constant 0 : i32
      %dma_start3A_24 = arith.constant 0 : i32
      %dma_start3A_25 = tpu.memref_slice %arg2[%dma_start3A_23, %dma_start3A_24] : memref<10000x32xbf16, #tpu.memory_space<hbm>> -> memref<10000x32xbf16, #tpu.memory_space<hbm>>
      tpu.enqueue_indirect_dma source(%dma_start3A_25 : memref<10000x32xbf16, #tpu.memory_space<hbm>>) target(%arg10 : memref<125x32xbf16, #tpu.memory_space<vmem>>) offsets(%dma_start3A_22 : memref<125xi32, #tpu.memory_space<vmem>>) semaphore(%arg13 : memref<!tpu.dma_semaphore, #tpu.memory_space<semaphore_mem>>)
      %dma_wait3A = arith.constant 0 : i32
      %dma_wait3A_26 = tpu.memref_slice %arg7[%mul3A_17, %dma_wait3A] : memref<40x125xi32, #tpu.memory_space<vmem>> -> memref<1x125xi32, #tpu.memory_space<vmem>>
      %dma_wait3A_27 = tpu.memref_squeeze %dma_wait3A_26 : memref<1x125xi32, #tpu.memory_space<vmem>> -> memref<125xi32, #tpu.memory_space<vmem>>
      %dma_wait3A_28 = arith.constant 0 : i32
      %dma_wait3A_29 = arith.constant 0 : i32
      %dma_wait3A_30 = tpu.memref_slice %arg2[%dma_wait3A_28, %dma_wait3A_29] : memref<10000x32xbf16, #tpu.memory_space<hbm>> -> memref<10000x32xbf16, #tpu.memory_space<hbm>>
      tpu.wait_indirect_dma semaphore(%arg12 : memref<!tpu.dma_semaphore, #tpu.memory_space<semaphore_mem>>) src(%dma_wait3A_30 : memref<10000x32xbf16, #tpu.memory_space<hbm>>) dst(%arg9 : memref<125x32xbf16, #tpu.memory_space<vmem>>)
      "tpu.region"() ({
        %run_scoped3A = tpu.sem_alloc : memref<!tpu.dma_semaphore, #tpu.memory_space<semaphore_mem>>
        %dma_start3A_43 = arith.constant 0 : i32
        %dma_start3A_44 = tpu.memref_slice %arg8[%mul3A_17, %dma_start3A_43] : memref<40x125xi32, #tpu.memory_space<vmem>> -> memref<1x125xi32, #tpu.memory_space<vmem>>
        %dma_start3A_45 = tpu.memref_squeeze %dma_start3A_44 : memref<1x125xi32, #tpu.memory_space<vmem>> -> memref<125xi32, #tpu.memory_space<vmem>>
        %dma_start3A_46 = arith.constant 0 : i32
        %dma_start3A_47 = arith.constant 0 : i32
        %dma_start3A_48 = tpu.memref_slice %arg11[%dma_start3A_46, %dma_start3A_47] : memref<10240x32xbf16, #tpu.memory_space<vmem_shared>> -> memref<10240x32xbf16, #tpu.memory_space<vmem_shared>>
        tpu.enqueue_indirect_dma source(%arg9 : memref<125x32xbf16, #tpu.memory_space<vmem>>) target(%dma_start3A_48 : memref<10240x32xbf16, #tpu.memory_space<vmem_shared>>) offsets(%dma_start3A_45 : memref<125xi32, #tpu.memory_space<vmem>>) semaphore(%run_scoped3A : memref<!tpu.dma_semaphore, #tpu.memory_space<semaphore_mem>>) {add = true}
        %dma_wait3A_49 = arith.constant 0 : i32
        %dma_wait3A_50 = tpu.memref_slice %arg8[%mul3A_17, %dma_wait3A_49] : memref<40x125xi32, #tpu.memory_space<vmem>> -> memref<1x125xi32, #tpu.memory_space<vmem>>
        %dma_wait3A_51 = tpu.memref_squeeze %dma_wait3A_50 : memref<1x125xi32, #tpu.memory_space<vmem>> -> memref<125xi32, #tpu.memory_space<vmem>>
        %dma_wait3A_52 = arith.constant 0 : i32
        %dma_wait3A_53 = arith.constant 0 : i32
        %dma_wait3A_54 = tpu.memref_slice %arg11[%dma_wait3A_52, %dma_wait3A_53] : memref<10240x32xbf16, #tpu.memory_space<vmem_shared>> -> memref<10240x32xbf16, #tpu.memory_space<vmem_shared>>
        tpu.wait_indirect_dma semaphore(%run_scoped3A : memref<!tpu.dma_semaphore, #tpu.memory_space<semaphore_mem>>) src(%arg9 : memref<125x32xbf16, #tpu.memory_space<vmem>>) dst(%dma_wait3A_54 : memref<10240x32xbf16, #tpu.memory_space<vmem_shared>>)
        tpu.yield
      }) : () -> ()
      %lt3A = arith.constant 19 : i32
      %lt3A_31 = arith.cmpi slt, %scan3A_15, %lt3A : i32
      %convert_element_type3A = arith.extui %lt3A_31 : i1 to i32
      %cond3A = arith.constant 0 : i32
      %cond3A_32 = arith.cmpi ne, %convert_element_type3A, %cond3A : i32
      scf.if %cond3A_32 {
        %add3A_43 = arith.constant 2 : i32
        %add3A_44 = arith.addi %mul3A_17, %add3A_43 : i32
        %dma_start3A_45 = arith.constant 0 : i32
        %dma_start3A_46 = tpu.memref_slice %arg7[%add3A_44, %dma_start3A_45] : memref<40x125xi32, #tpu.memory_space<vmem>> -> memref<1x125xi32, #tpu.memory_space<vmem>>
        %dma_start3A_47 = tpu.memref_squeeze %dma_start3A_46 : memref<1x125xi32, #tpu.memory_space<vmem>> -> memref<125xi32, #tpu.memory_space<vmem>>
        %dma_start3A_48 = arith.constant 0 : i32
        %dma_start3A_49 = arith.constant 0 : i32
        %dma_start3A_50 = tpu.memref_slice %arg2[%dma_start3A_48, %dma_start3A_49] : memref<10000x32xbf16, #tpu.memory_space<hbm>> -> memref<10000x32xbf16, #tpu.memory_space<hbm>>
        tpu.enqueue_indirect_dma source(%dma_start3A_50 : memref<10000x32xbf16, #tpu.memory_space<hbm>>) target(%arg9 : memref<125x32xbf16, #tpu.memory_space<vmem>>) offsets(%dma_start3A_47 : memref<125xi32, #tpu.memory_space<vmem>>) semaphore(%arg12 : memref<!tpu.dma_semaphore, #tpu.memory_space<semaphore_mem>>)
      } else {
      }
      %add3A_33 = arith.constant 1 : i32
      %add3A_34 = arith.addi %mul3A_17, %add3A_33 : i32
      %dma_wait3A_35 = arith.constant 0 : i32
      %dma_wait3A_36 = tpu.memref_slice %arg7[%add3A_34, %dma_wait3A_35] : memref<40x125xi32, #tpu.memory_space<vmem>> -> memref<1x125xi32, #tpu.memory_space<vmem>>
      %dma_wait3A_37 = tpu.memref_squeeze %dma_wait3A_36 : memref<1x125xi32, #tpu.memory_space<vmem>> -> memref<125xi32, #tpu.memory_space<vmem>>
      %dma_wait3A_38 = arith.constant 0 : i32
      %dma_wait3A_39 = arith.constant 0 : i32
      %dma_wait3A_40 = tpu.memref_slice %arg2[%dma_wait3A_38, %dma_wait3A_39] : memref<10000x32xbf16, #tpu.memory_space<hbm>> -> memref<10000x32xbf16, #tpu.memory_space<hbm>>
      tpu.wait_indirect_dma semaphore(%arg13 : memref<!tpu.dma_semaphore, #tpu.memory_space<semaphore_mem>>) src(%dma_wait3A_40 : memref<10000x32xbf16, #tpu.memory_space<hbm>>) dst(%arg10 : memref<125x32xbf16, #tpu.memory_space<vmem>>)
      %add3A_41 = arith.constant 1 : i32
      %add3A_42 = arith.addi %mul3A_17, %add3A_41 : i32
      "tpu.region"() ({
        %run_scoped3A = tpu.sem_alloc : memref<!tpu.dma_semaphore, #tpu.memory_space<semaphore_mem>>
        %dma_start3A_43 = arith.constant 0 : i32
        %dma_start3A_44 = tpu.memref_slice %arg8[%add3A_42, %dma_start3A_43] : memref<40x125xi32, #tpu.memory_space<vmem>> -> memref<1x125xi32, #tpu.memory_space<vmem>>
        %dma_start3A_45 = tpu.memref_squeeze %dma_start3A_44 : memref<1x125xi32, #tpu.memory_space<vmem>> -> memref<125xi32, #tpu.memory_space<vmem>>
        %dma_start3A_46 = arith.constant 0 : i32
        %dma_start3A_47 = arith.constant 0 : i32
        %dma_start3A_48 = tpu.memref_slice %arg11[%dma_start3A_46, %dma_start3A_47] : memref<10240x32xbf16, #tpu.memory_space<vmem_shared>> -> memref<10240x32xbf16, #tpu.memory_space<vmem_shared>>
        tpu.enqueue_indirect_dma source(%arg10 : memref<125x32xbf16, #tpu.memory_space<vmem>>) target(%dma_start3A_48 : memref<10240x32xbf16, #tpu.memory_space<vmem_shared>>) offsets(%dma_start3A_45 : memref<125xi32, #tpu.memory_space<vmem>>) semaphore(%run_scoped3A : memref<!tpu.dma_semaphore, #tpu.memory_space<semaphore_mem>>) {add = true}
        %dma_wait3A_49 = arith.constant 0 : i32
        %dma_wait3A_50 = tpu.memref_slice %arg8[%add3A_42, %dma_wait3A_49] : memref<40x125xi32, #tpu.memory_space<vmem>> -> memref<1x125xi32, #tpu.memory_space<vmem>>
        %dma_wait3A_51 = tpu.memref_squeeze %dma_wait3A_50 : memref<1x125xi32, #tpu.memory_space<vmem>> -> memref<125xi32, #tpu.memory_space<vmem>>
        %dma_wait3A_52 = arith.constant 0 : i32
        %dma_wait3A_53 = arith.constant 0 : i32
        %dma_wait3A_54 = tpu.memref_slice %arg11[%dma_wait3A_52, %dma_wait3A_53] : memref<10240x32xbf16, #tpu.memory_space<vmem_shared>> -> memref<10240x32xbf16, #tpu.memory_space<vmem_shared>>
        tpu.wait_indirect_dma semaphore(%run_scoped3A : memref<!tpu.dma_semaphore, #tpu.memory_space<semaphore_mem>>) src(%arg10 : memref<125x32xbf16, #tpu.memory_space<vmem>>) dst(%dma_wait3A_54 : memref<10240x32xbf16, #tpu.memory_space<vmem_shared>>)
        tpu.yield
      }) : () -> ()
    }
    %scan3A_13 = arith.constant 20 : i32
    %barrier3A_14 = arith.constant 0 : index
    tpu.barrier barrier_id(%barrier3A_14)
    "tpu.region"() ({
      %run_scoped3A = tpu.sem_alloc : memref<!tpu.dma_semaphore, #tpu.memory_space<semaphore_mem>>
      %dma_start3A_15 = arith.constant 0 : i32
      %dma_start3A_16 = tpu.memref_slice %arg6[%arg0, %mul3A_2, %dma_start3A_15] : memref<2x10240x32xbf16, #tpu.memory_space<hbm>> -> memref<1x640x32xbf16, #tpu.memory_space<hbm>>
      %dma_start3A_17 = tpu.memref_squeeze %dma_start3A_16 : memref<1x640x32xbf16, #tpu.memory_space<hbm>> -> memref<640x32xbf16, #tpu.memory_space<hbm>>
      %dma_start3A_18 = arith.constant 0 : i32
      %dma_start3A_19 = tpu.memref_slice %arg11[%mul3A_2, %dma_start3A_18] : memref<10240x32xbf16, #tpu.memory_space<vmem_shared>> -> memref<640x32xbf16, #tpu.memory_space<vmem_shared>>
      tpu.enqueue_dma source(%dma_start3A_19 : memref<640x32xbf16, #tpu.memory_space<vmem_shared>>) target(%dma_start3A_17 : memref<640x32xbf16, #tpu.memory_space<hbm>>) target_semaphore(%run_scoped3A : memref<!tpu.dma_semaphore, #tpu.memory_space<semaphore_mem>>)
      %dma_wait3A = arith.constant 0 : i32
      %dma_wait3A_20 = tpu.memref_slice %arg6[%arg0, %mul3A_2, %dma_wait3A] : memref<2x10240x32xbf16, #tpu.memory_space<hbm>> -> memref<1x640x32xbf16, #tpu.memory_space<hbm>>
      %dma_wait3A_21 = tpu.memref_squeeze %dma_wait3A_20 : memref<1x640x32xbf16, #tpu.memory_space<hbm>> -> memref<640x32xbf16, #tpu.memory_space<hbm>>
      %dma_wait3A_22 = arith.constant 0 : i32
      %dma_wait3A_23 = tpu.memref_slice %arg11[%mul3A_2, %dma_wait3A_22] : memref<10240x32xbf16, #tpu.memory_space<vmem_shared>> -> memref<640x32xbf16, #tpu.memory_space<vmem_shared>>
      tpu.wait_dma2 semaphore(%run_scoped3A : memref<!tpu.dma_semaphore, #tpu.memory_space<semaphore_mem>>) src(%dma_wait3A_23 : memref<640x32xbf16, #tpu.memory_space<vmem_shared>>) dst(%dma_wait3A_21 : memref<640x32xbf16, #tpu.memory_space<hbm>>)
      tpu.yield
    }) : () -> ()
    return
  }
}

#map = affine_map<(d0, d1) -> (0, 0)>
#map1 = affine_map<(d0, d1) -> (0, 0, 0)>
module attributes {stable_mosaic.version = 14 : i64} {
  func.func @_segsum_body(%arg0: i32, %arg1: i32, %arg2: memref<10000x32xbf16, #tpu.memory_space<hbm>>, %arg3: memref<32x40x125xi32, #tpu.memory_space<hbm>>, %arg4: memref<32x40x125xi32, #tpu.memory_space<hbm>>, %arg5: memref<10240x32xbf16, #tpu.memory_space<hbm>>, %arg6: memref<2x10240x32xbf16, #tpu.memory_space<hbm>>, %arg7: memref<40x125xi32, #tpu.memory_space<vmem>>, %arg8: memref<40x125xi32, #tpu.memory_space<vmem>>, %arg9: memref<125x32xbf16, #tpu.memory_space<vmem>>, %arg10: memref<125x32xbf16, #tpu.memory_space<vmem>>, %arg11: memref<10240x32xbf16, #tpu.memory_space<vmem_shared>>, %arg12: memref<!tpu.dma_semaphore, #tpu.memory_space<semaphore_mem>>, %arg13: memref<!tpu.dma_semaphore, #tpu.memory_space<semaphore_mem>>) attributes {dimension_semantics = [#tpu.dimension_semantics<core_parallel>, #tpu.dimension_semantics<subcore_parallel>], iteration_bounds = array<i64: 2, 16>, scalar_prefetch = 0 : i64, scratch_operands = 7 : i64, tpu.core_type = #tpu.core_type<sc_vector_subcore>, window_params = [{transform_indices = #map}, {transform_indices = #map1}, {transform_indices = #map1}, {transform_indices = #map}, {transform_indices = #map1}]} {
    %mul3A = arith.constant 16 : i32
    %mul3A_0 = arith.muli %arg0, %mul3A : i32
    %add3A = arith.addi %mul3A_0, %arg1 : i32
    %mul3A_1 = arith.constant 640 : i32
    %mul3A_2 = arith.muli %arg1, %mul3A_1 : i32
    "tpu.region"() ({
      %run_scoped3A = tpu.sem_alloc : memref<!tpu.dma_semaphore, #tpu.memory_space<semaphore_mem>>
      %dma_start3A_15 = arith.constant 0 : i32
      %dma_start3A_16 = tpu.memref_slice %arg11[%mul3A_2, %dma_start3A_15] : memref<10240x32xbf16, #tpu.memory_space<vmem_shared>> -> memref<640x32xbf16, #tpu.memory_space<vmem_shared>>
      %dma_start3A_17 = arith.constant 0 : i32
      %dma_start3A_18 = tpu.memref_slice %arg5[%mul3A_2, %dma_start3A_17] : memref<10240x32xbf16, #tpu.memory_space<hbm>> -> memref<640x32xbf16, #tpu.memory_space<hbm>>
      tpu.enqueue_dma source(%dma_start3A_18 : memref<640x32xbf16, #tpu.memory_space<hbm>>) target(%dma_start3A_16 : memref<640x32xbf16, #tpu.memory_space<vmem_shared>>) target_semaphore(%run_scoped3A : memref<!tpu.dma_semaphore, #tpu.memory_space<semaphore_mem>>)
      %dma_wait3A = arith.constant 0 : i32
      %dma_wait3A_19 = tpu.memref_slice %arg11[%mul3A_2, %dma_wait3A] : memref<10240x32xbf16, #tpu.memory_space<vmem_shared>> -> memref<640x32xbf16, #tpu.memory_space<vmem_shared>>
      %dma_wait3A_20 = arith.constant 0 : i32
      %dma_wait3A_21 = tpu.memref_slice %arg5[%mul3A_2, %dma_wait3A_20] : memref<10240x32xbf16, #tpu.memory_space<hbm>> -> memref<640x32xbf16, #tpu.memory_space<hbm>>
      tpu.wait_dma2 semaphore(%run_scoped3A : memref<!tpu.dma_semaphore, #tpu.memory_space<semaphore_mem>>) src(%dma_wait3A_21 : memref<640x32xbf16, #tpu.memory_space<hbm>>) dst(%dma_wait3A_19 : memref<640x32xbf16, #tpu.memory_space<vmem_shared>>)
      tpu.yield
    }) : () -> ()
    "tpu.region"() ({
      %run_scoped3A = tpu.sem_alloc : memref<!tpu.dma_semaphore, #tpu.memory_space<semaphore_mem>>
      %dma_start3A_15 = arith.constant 0 : i32
      %dma_start3A_16 = arith.constant 0 : i32
      %dma_start3A_17 = tpu.memref_slice %arg3[%add3A, %dma_start3A_15, %dma_start3A_16] : memref<32x40x125xi32, #tpu.memory_space<hbm>> -> memref<1x40x125xi32, #tpu.memory_space<hbm>>
      %dma_start3A_18 = tpu.memref_squeeze %dma_start3A_17 : memref<1x40x125xi32, #tpu.memory_space<hbm>> -> memref<40x125xi32, #tpu.memory_space<hbm>>
      %dma_start3A_19 = arith.constant 0 : i32
      %dma_start3A_20 = arith.constant 0 : i32
      %dma_start3A_21 = tpu.memref_slice %arg3[%add3A, %dma_start3A_19, %dma_start3A_20] : memref<32x40x125xi32, #tpu.memory_space<hbm>> -> memref<1x40x125xi32, #tpu.memory_space<hbm>>
      %dma_start3A_22 = tpu.memref_squeeze %dma_start3A_21 : memref<1x40x125xi32, #tpu.memory_space<hbm>> -> memref<40x125xi32, #tpu.memory_space<hbm>>
      tpu.enqueue_dma source(%dma_start3A_22 : memref<40x125xi32, #tpu.memory_space<hbm>>) target(%arg7 : memref<40x125xi32, #tpu.memory_space<vmem>>) target_semaphore(%run_scoped3A : memref<!tpu.dma_semaphore, #tpu.memory_space<semaphore_mem>>)
      %dma_wait3A = arith.constant 0 : i32
      %dma_wait3A_23 = arith.constant 0 : i32
      %dma_wait3A_24 = tpu.memref_slice %arg3[%add3A, %dma_wait3A, %dma_wait3A_23] : memref<32x40x125xi32, #tpu.memory_space<hbm>> -> memref<1x40x125xi32, #tpu.memory_space<hbm>>
      %dma_wait3A_25 = tpu.memref_squeeze %dma_wait3A_24 : memref<1x40x125xi32, #tpu.memory_space<hbm>> -> memref<40x125xi32, #tpu.memory_space<hbm>>
      %dma_wait3A_26 = arith.constant 0 : i32
      %dma_wait3A_27 = arith.constant 0 : i32
      %dma_wait3A_28 = tpu.memref_slice %arg3[%add3A, %dma_wait3A_26, %dma_wait3A_27] : memref<32x40x125xi32, #tpu.memory_space<hbm>> -> memref<1x40x125xi32, #tpu.memory_space<hbm>>
      %dma_wait3A_29 = tpu.memref_squeeze %dma_wait3A_28 : memref<1x40x125xi32, #tpu.memory_space<hbm>> -> memref<40x125xi32, #tpu.memory_space<hbm>>
      tpu.wait_dma2 semaphore(%run_scoped3A : memref<!tpu.dma_semaphore, #tpu.memory_space<semaphore_mem>>) src(%dma_wait3A_29 : memref<40x125xi32, #tpu.memory_space<hbm>>) dst(%arg7 : memref<40x125xi32, #tpu.memory_space<vmem>>)
      tpu.yield
    }) : () -> ()
    "tpu.region"() ({
      %run_scoped3A = tpu.sem_alloc : memref<!tpu.dma_semaphore, #tpu.memory_space<semaphore_mem>>
      %dma_start3A_15 = arith.constant 0 : i32
      %dma_start3A_16 = arith.constant 0 : i32
      %dma_start3A_17 = tpu.memref_slice %arg4[%add3A, %dma_start3A_15, %dma_start3A_16] : memref<32x40x125xi32, #tpu.memory_space<hbm>> -> memref<1x40x125xi32, #tpu.memory_space<hbm>>
      %dma_start3A_18 = tpu.memref_squeeze %dma_start3A_17 : memref<1x40x125xi32, #tpu.memory_space<hbm>> -> memref<40x125xi32, #tpu.memory_space<hbm>>
      %dma_start3A_19 = arith.constant 0 : i32
      %dma_start3A_20 = arith.constant 0 : i32
      %dma_start3A_21 = tpu.memref_slice %arg4[%add3A, %dma_start3A_19, %dma_start3A_20] : memref<32x40x125xi32, #tpu.memory_space<hbm>> -> memref<1x40x125xi32, #tpu.memory_space<hbm>>
      %dma_start3A_22 = tpu.memref_squeeze %dma_start3A_21 : memref<1x40x125xi32, #tpu.memory_space<hbm>> -> memref<40x125xi32, #tpu.memory_space<hbm>>
      tpu.enqueue_dma source(%dma_start3A_22 : memref<40x125xi32, #tpu.memory_space<hbm>>) target(%arg8 : memref<40x125xi32, #tpu.memory_space<vmem>>) target_semaphore(%run_scoped3A : memref<!tpu.dma_semaphore, #tpu.memory_space<semaphore_mem>>)
      %dma_wait3A = arith.constant 0 : i32
      %dma_wait3A_23 = arith.constant 0 : i32
      %dma_wait3A_24 = tpu.memref_slice %arg4[%add3A, %dma_wait3A, %dma_wait3A_23] : memref<32x40x125xi32, #tpu.memory_space<hbm>> -> memref<1x40x125xi32, #tpu.memory_space<hbm>>
      %dma_wait3A_25 = tpu.memref_squeeze %dma_wait3A_24 : memref<1x40x125xi32, #tpu.memory_space<hbm>> -> memref<40x125xi32, #tpu.memory_space<hbm>>
      %dma_wait3A_26 = arith.constant 0 : i32
      %dma_wait3A_27 = arith.constant 0 : i32
      %dma_wait3A_28 = tpu.memref_slice %arg4[%add3A, %dma_wait3A_26, %dma_wait3A_27] : memref<32x40x125xi32, #tpu.memory_space<hbm>> -> memref<1x40x125xi32, #tpu.memory_space<hbm>>
      %dma_wait3A_29 = tpu.memref_squeeze %dma_wait3A_28 : memref<1x40x125xi32, #tpu.memory_space<hbm>> -> memref<40x125xi32, #tpu.memory_space<hbm>>
      tpu.wait_dma2 semaphore(%run_scoped3A : memref<!tpu.dma_semaphore, #tpu.memory_space<semaphore_mem>>) src(%dma_wait3A_29 : memref<40x125xi32, #tpu.memory_space<hbm>>) dst(%arg8 : memref<40x125xi32, #tpu.memory_space<vmem>>)
      tpu.yield
    }) : () -> ()
    %barrier3A = arith.constant 0 : index
    tpu.barrier barrier_id(%barrier3A)
    %dma_start3A = arith.constant 0 : i32
    %dma_start3A_3 = arith.constant 0 : i32
    %dma_start3A_4 = tpu.memref_slice %arg7[%dma_start3A, %dma_start3A_3] : memref<40x125xi32, #tpu.memory_space<vmem>> -> memref<1x125xi32, #tpu.memory_space<vmem>>
    %dma_start3A_5 = tpu.memref_squeeze %dma_start3A_4 : memref<1x125xi32, #tpu.memory_space<vmem>> -> memref<125xi32, #tpu.memory_space<vmem>>
    %dma_start3A_6 = arith.constant 0 : i32
    %dma_start3A_7 = arith.constant 0 : i32
    %dma_start3A_8 = tpu.memref_slice %arg2[%dma_start3A_6, %dma_start3A_7] : memref<10000x32xbf16, #tpu.memory_space<hbm>> -> memref<10000x32xbf16, #tpu.memory_space<hbm>>
    tpu.enqueue_indirect_dma source(%dma_start3A_8 : memref<10000x32xbf16, #tpu.memory_space<hbm>>) target(%arg9 : memref<125x32xbf16, #tpu.memory_space<vmem>>) offsets(%dma_start3A_5 : memref<125xi32, #tpu.memory_space<vmem>>) semaphore(%arg12 : memref<!tpu.dma_semaphore, #tpu.memory_space<semaphore_mem>>)
    %scan3A = arith.constant 0 : i32
    %scan3A_9 = arith.constant 0 : i32
    %scan3A_10 = arith.constant 20 : i32
    %scan3A_11 = arith.addi %scan3A_9, %scan3A_10 : i32
    %scan3A_12 = arith.constant 1 : i32
    scf.for %scan3A_15 = %scan3A_9 to %scan3A_11 step %scan3A_12  : i32 {
      %mul3A_16 = arith.constant 2 : i32
      %mul3A_17 = arith.muli %mul3A_16, %scan3A_15 : i32
      %add3A_18 = arith.constant 1 : i32
      %add3A_19 = arith.addi %mul3A_17, %add3A_18 : i32
      %dma_start3A_20 = arith.constant 0 : i32
      %dma_start3A_21 = tpu.memref_slice %arg7[%add3A_19, %dma_start3A_20] : memref<40x125xi32, #tpu.memory_space<vmem>> -> memref<1x125xi32, #tpu.memory_space<vmem>>
      %dma_start3A_22 = tpu.memref_squeeze %dma_start3A_21 : memref<1x125xi32, #tpu.memory_space<vmem>> -> memref<125xi32, #tpu.memory_space<vmem>>
      %dma_start3A_23 = arith.constant 0 : i32
      %dma_start3A_24 = arith.constant 0 : i32
      %dma_start3A_25 = tpu.memref_slice %arg2[%dma_start3A_23, %dma_start3A_24] : memref<10000x32xbf16, #tpu.memory_space<hbm>> -> memref<10000x32xbf16, #tpu.memory_space<hbm>>
      tpu.enqueue_indirect_dma source(%dma_start3A_25 : memref<10000x32xbf16, #tpu.memory_space<hbm>>) target(%arg10 : memref<125x32xbf16, #tpu.memory_space<vmem>>) offsets(%dma_start3A_22 : memref<125xi32, #tpu.memory_space<vmem>>) semaphore(%arg13 : memref<!tpu.dma_semaphore, #tpu.memory_space<semaphore_mem>>)
      %dma_wait3A = arith.constant 0 : i32
      %dma_wait3A_26 = tpu.memref_slice %arg7[%mul3A_17, %dma_wait3A] : memref<40x125xi32, #tpu.memory_space<vmem>> -> memref<1x125xi32, #tpu.memory_space<vmem>>
      %dma_wait3A_27 = tpu.memref_squeeze %dma_wait3A_26 : memref<1x125xi32, #tpu.memory_space<vmem>> -> memref<125xi32, #tpu.memory_space<vmem>>
      %dma_wait3A_28 = arith.constant 0 : i32
      %dma_wait3A_29 = arith.constant 0 : i32
      %dma_wait3A_30 = tpu.memref_slice %arg2[%dma_wait3A_28, %dma_wait3A_29] : memref<10000x32xbf16, #tpu.memory_space<hbm>> -> memref<10000x32xbf16, #tpu.memory_space<hbm>>
      tpu.wait_indirect_dma semaphore(%arg12 : memref<!tpu.dma_semaphore, #tpu.memory_space<semaphore_mem>>) src(%dma_wait3A_30 : memref<10000x32xbf16, #tpu.memory_space<hbm>>) dst(%arg9 : memref<125x32xbf16, #tpu.memory_space<vmem>>)
      "tpu.region"() ({
        %run_scoped3A = tpu.sem_alloc : memref<!tpu.dma_semaphore, #tpu.memory_space<semaphore_mem>>
        %dma_start3A_43 = arith.constant 0 : i32
        %dma_start3A_44 = tpu.memref_slice %arg8[%mul3A_17, %dma_start3A_43] : memref<40x125xi32, #tpu.memory_space<vmem>> -> memref<1x125xi32, #tpu.memory_space<vmem>>
        %dma_start3A_45 = tpu.memref_squeeze %dma_start3A_44 : memref<1x125xi32, #tpu.memory_space<vmem>> -> memref<125xi32, #tpu.memory_space<vmem>>
        %dma_start3A_46 = arith.constant 0 : i32
        %dma_start3A_47 = arith.constant 0 : i32
        %dma_start3A_48 = tpu.memref_slice %arg11[%dma_start3A_46, %dma_start3A_47] : memref<10240x32xbf16, #tpu.memory_space<vmem_shared>> -> memref<10240x32xbf16, #tpu.memory_space<vmem_shared>>
        tpu.enqueue_indirect_dma source(%arg9 : memref<125x32xbf16, #tpu.memory_space<vmem>>) target(%dma_start3A_48 : memref<10240x32xbf16, #tpu.memory_space<vmem_shared>>) offsets(%dma_start3A_45 : memref<125xi32, #tpu.memory_space<vmem>>) semaphore(%run_scoped3A : memref<!tpu.dma_semaphore, #tpu.memory_space<semaphore_mem>>) {add = true}
        %dma_wait3A_49 = arith.constant 0 : i32
        %dma_wait3A_50 = tpu.memref_slice %arg8[%mul3A_17, %dma_wait3A_49] : memref<40x125xi32, #tpu.memory_space<vmem>> -> memref<1x125xi32, #tpu.memory_space<vmem>>
        %dma_wait3A_51 = tpu.memref_squeeze %dma_wait3A_50 : memref<1x125xi32, #tpu.memory_space<vmem>> -> memref<125xi32, #tpu.memory_space<vmem>>
        %dma_wait3A_52 = arith.constant 0 : i32
        %dma_wait3A_53 = arith.constant 0 : i32
        %dma_wait3A_54 = tpu.memref_slice %arg11[%dma_wait3A_52, %dma_wait3A_53] : memref<10240x32xbf16, #tpu.memory_space<vmem_shared>> -> memref<10240x32xbf16, #tpu.memory_space<vmem_shared>>
        tpu.wait_indirect_dma semaphore(%run_scoped3A : memref<!tpu.dma_semaphore, #tpu.memory_space<semaphore_mem>>) src(%arg9 : memref<125x32xbf16, #tpu.memory_space<vmem>>) dst(%dma_wait3A_54 : memref<10240x32xbf16, #tpu.memory_space<vmem_shared>>)
        tpu.yield
      }) : () -> ()
      %lt3A = arith.constant 19 : i32
      %lt3A_31 = arith.cmpi slt, %scan3A_15, %lt3A : i32
      %convert_element_type3A = arith.extui %lt3A_31 : i1 to i32
      %cond3A = arith.constant 0 : i32
      %cond3A_32 = arith.cmpi ne, %convert_element_type3A, %cond3A : i32
      scf.if %cond3A_32 {
        %add3A_43 = arith.constant 2 : i32
        %add3A_44 = arith.addi %mul3A_17, %add3A_43 : i32
        %dma_start3A_45 = arith.constant 0 : i32
        %dma_start3A_46 = tpu.memref_slice %arg7[%add3A_44, %dma_start3A_45] : memref<40x125xi32, #tpu.memory_space<vmem>> -> memref<1x125xi32, #tpu.memory_space<vmem>>
        %dma_start3A_47 = tpu.memref_squeeze %dma_start3A_46 : memref<1x125xi32, #tpu.memory_space<vmem>> -> memref<125xi32, #tpu.memory_space<vmem>>
        %dma_start3A_48 = arith.constant 0 : i32
        %dma_start3A_49 = arith.constant 0 : i32
        %dma_start3A_50 = tpu.memref_slice %arg2[%dma_start3A_48, %dma_start3A_49] : memref<10000x32xbf16, #tpu.memory_space<hbm>> -> memref<10000x32xbf16, #tpu.memory_space<hbm>>
        tpu.enqueue_indirect_dma source(%dma_start3A_50 : memref<10000x32xbf16, #tpu.memory_space<hbm>>) target(%arg9 : memref<125x32xbf16, #tpu.memory_space<vmem>>) offsets(%dma_start3A_47 : memref<125xi32, #tpu.memory_space<vmem>>) semaphore(%arg12 : memref<!tpu.dma_semaphore, #tpu.memory_space<semaphore_mem>>)
      } else {
      }
      %add3A_33 = arith.constant 1 : i32
      %add3A_34 = arith.addi %mul3A_17, %add3A_33 : i32
      %dma_wait3A_35 = arith.constant 0 : i32
      %dma_wait3A_36 = tpu.memref_slice %arg7[%add3A_34, %dma_wait3A_35] : memref<40x125xi32, #tpu.memory_space<vmem>> -> memref<1x125xi32, #tpu.memory_space<vmem>>
      %dma_wait3A_37 = tpu.memref_squeeze %dma_wait3A_36 : memref<1x125xi32, #tpu.memory_space<vmem>> -> memref<125xi32, #tpu.memory_space<vmem>>
      %dma_wait3A_38 = arith.constant 0 : i32
      %dma_wait3A_39 = arith.constant 0 : i32
      %dma_wait3A_40 = tpu.memref_slice %arg2[%dma_wait3A_38, %dma_wait3A_39] : memref<10000x32xbf16, #tpu.memory_space<hbm>> -> memref<10000x32xbf16, #tpu.memory_space<hbm>>
      tpu.wait_indirect_dma semaphore(%arg13 : memref<!tpu.dma_semaphore, #tpu.memory_space<semaphore_mem>>) src(%dma_wait3A_40 : memref<10000x32xbf16, #tpu.memory_space<hbm>>) dst(%arg10 : memref<125x32xbf16, #tpu.memory_space<vmem>>)
      %add3A_41 = arith.constant 1 : i32
      %add3A_42 = arith.addi %mul3A_17, %add3A_41 : i32
      "tpu.region"() ({
        %run_scoped3A = tpu.sem_alloc : memref<!tpu.dma_semaphore, #tpu.memory_space<semaphore_mem>>
        %dma_start3A_43 = arith.constant 0 : i32
        %dma_start3A_44 = tpu.memref_slice %arg8[%add3A_42, %dma_start3A_43] : memref<40x125xi32, #tpu.memory_space<vmem>> -> memref<1x125xi32, #tpu.memory_space<vmem>>
        %dma_start3A_45 = tpu.memref_squeeze %dma_start3A_44 : memref<1x125xi32, #tpu.memory_space<vmem>> -> memref<125xi32, #tpu.memory_space<vmem>>
        %dma_start3A_46 = arith.constant 0 : i32
        %dma_start3A_47 = arith.constant 0 : i32
        %dma_start3A_48 = tpu.memref_slice %arg11[%dma_start3A_46, %dma_start3A_47] : memref<10240x32xbf16, #tpu.memory_space<vmem_shared>> -> memref<10240x32xbf16, #tpu.memory_space<vmem_shared>>
        tpu.enqueue_indirect_dma source(%arg10 : memref<125x32xbf16, #tpu.memory_space<vmem>>) target(%dma_start3A_48 : memref<10240x32xbf16, #tpu.memory_space<vmem_shared>>) offsets(%dma_start3A_45 : memref<125xi32, #tpu.memory_space<vmem>>) semaphore(%run_scoped3A : memref<!tpu.dma_semaphore, #tpu.memory_space<semaphore_mem>>) {add = true}
        %dma_wait3A_49 = arith.constant 0 : i32
        %dma_wait3A_50 = tpu.memref_slice %arg8[%add3A_42, %dma_wait3A_49] : memref<40x125xi32, #tpu.memory_space<vmem>> -> memref<1x125xi32, #tpu.memory_space<vmem>>
        %dma_wait3A_51 = tpu.memref_squeeze %dma_wait3A_50 : memref<1x125xi32, #tpu.memory_space<vmem>> -> memref<125xi32, #tpu.memory_space<vmem>>
        %dma_wait3A_52 = arith.constant 0 : i32
        %dma_wait3A_53 = arith.constant 0 : i32
        %dma_wait3A_54 = tpu.memref_slice %arg11[%dma_wait3A_52, %dma_wait3A_53] : memref<10240x32xbf16, #tpu.memory_space<vmem_shared>> -> memref<10240x32xbf16, #tpu.memory_space<vmem_shared>>
        tpu.wait_indirect_dma semaphore(%run_scoped3A : memref<!tpu.dma_semaphore, #tpu.memory_space<semaphore_mem>>) src(%arg10 : memref<125x32xbf16, #tpu.memory_space<vmem>>) dst(%dma_wait3A_54 : memref<10240x32xbf16, #tpu.memory_space<vmem_shared>>)
        tpu.yield
      }) : () -> ()
    }
    %scan3A_13 = arith.constant 20 : i32
    %barrier3A_14 = arith.constant 0 : index
    tpu.barrier barrier_id(%barrier3A_14)
    "tpu.region"() ({
      %run_scoped3A = tpu.sem_alloc : memref<!tpu.dma_semaphore, #tpu.memory_space<semaphore_mem>>
      %dma_start3A_15 = arith.constant 0 : i32
      %dma_start3A_16 = tpu.memref_slice %arg6[%arg0, %mul3A_2, %dma_start3A_15] : memref<2x10240x32xbf16, #tpu.memory_space<hbm>> -> memref<1x640x32xbf16, #tpu.memory_space<hbm>>
      %dma_start3A_17 = tpu.memref_squeeze %dma_start3A_16 : memref<1x640x32xbf16, #tpu.memory_space<hbm>> -> memref<640x32xbf16, #tpu.memory_space<hbm>>
      %dma_start3A_18 = arith.constant 0 : i32
      %dma_start3A_19 = tpu.memref_slice %arg11[%mul3A_2, %dma_start3A_18] : memref<10240x32xbf16, #tpu.memory_space<vmem_shared>> -> memref<640x32xbf16, #tpu.memory_space<vmem_shared>>
      tpu.enqueue_dma source(%dma_start3A_19 : memref<640x32xbf16, #tpu.memory_space<vmem_shared>>) target(%dma_start3A_17 : memref<640x32xbf16, #tpu.memory_space<hbm>>) target_semaphore(%run_scoped3A : memref<!tpu.dma_semaphore, #tpu.memory_space<semaphore_mem>>)
      %dma_wait3A = arith.constant 0 : i32
      %dma_wait3A_20 = tpu.memref_slice %arg6[%arg0, %mul3A_2, %dma_wait3A] : memref<2x10240x32xbf16, #tpu.memory_space<hbm>> -> memref<1x640x32xbf16, #tpu.memory_space<hbm>>
      %dma_wait3A_21 = tpu.memref_squeeze %dma_wait3A_20 : memref<1x640x32xbf16, #tpu.memory_space<hbm>> -> memref<640x32xbf16, #tpu.memory_space<hbm>>
      %dma_wait3A_22 = arith.constant 0 : i32
      %dma_wait3A_23 = tpu.memref_slice %arg11[%mul3A_2, %dma_wait3A_22] : memref<10240x32xbf16, #tpu.memory_space<vmem_shared>> -> memref<640x32xbf16, #tpu.memory_space<vmem_shared>>
      tpu.wait_dma2 semaphore(%run_scoped3A : memref<!tpu.dma_semaphore, #tpu.memory_space<semaphore_mem>>) src(%dma_wait3A_23 : memref<640x32xbf16, #tpu.memory_space<vmem_shared>>) dst(%dma_wait3A_21 : memref<640x32xbf16, #tpu.memory_space<hbm>>)
      tpu.yield
    }) : () -> ()
    return
  }
}

#map = affine_map<(d0, d1) -> (0, 0)>
#map1 = affine_map<(d0, d1) -> (0, 0, 0)>
module attributes {stable_mosaic.version = 14 : i64} {
  func.func @_segsum_body(%arg0: i32, %arg1: i32, %arg2: memref<10000x128xbf16, #tpu.memory_space<hbm>>, %arg3: memref<32x40x125xi32, #tpu.memory_space<hbm>>, %arg4: memref<32x40x125xi32, #tpu.memory_space<hbm>>, %arg5: memref<10240x128xbf16, #tpu.memory_space<hbm>>, %arg6: memref<2x10240x128xbf16, #tpu.memory_space<hbm>>, %arg7: memref<40x125xi32, #tpu.memory_space<vmem>>, %arg8: memref<40x125xi32, #tpu.memory_space<vmem>>, %arg9: memref<125x128xbf16, #tpu.memory_space<vmem>>, %arg10: memref<125x128xbf16, #tpu.memory_space<vmem>>, %arg11: memref<10240x128xbf16, #tpu.memory_space<vmem_shared>>, %arg12: memref<!tpu.dma_semaphore, #tpu.memory_space<semaphore_mem>>, %arg13: memref<!tpu.dma_semaphore, #tpu.memory_space<semaphore_mem>>) attributes {dimension_semantics = [#tpu.dimension_semantics<core_parallel>, #tpu.dimension_semantics<subcore_parallel>], iteration_bounds = array<i64: 2, 16>, scalar_prefetch = 0 : i64, scratch_operands = 7 : i64, tpu.core_type = #tpu.core_type<sc_vector_subcore>, window_params = [{transform_indices = #map}, {transform_indices = #map1}, {transform_indices = #map1}, {transform_indices = #map}, {transform_indices = #map1}]} {
    %mul3A = arith.constant 16 : i32
    %mul3A_0 = arith.muli %arg0, %mul3A : i32
    %add3A = arith.addi %mul3A_0, %arg1 : i32
    %mul3A_1 = arith.constant 640 : i32
    %mul3A_2 = arith.muli %arg1, %mul3A_1 : i32
    "tpu.region"() ({
      %run_scoped3A = tpu.sem_alloc : memref<!tpu.dma_semaphore, #tpu.memory_space<semaphore_mem>>
      %dma_start3A_15 = arith.constant 0 : i32
      %dma_start3A_16 = tpu.memref_slice %arg11[%mul3A_2, %dma_start3A_15] : memref<10240x128xbf16, #tpu.memory_space<vmem_shared>> -> memref<640x128xbf16, #tpu.memory_space<vmem_shared>>
      %dma_start3A_17 = arith.constant 0 : i32
      %dma_start3A_18 = tpu.memref_slice %arg5[%mul3A_2, %dma_start3A_17] : memref<10240x128xbf16, #tpu.memory_space<hbm>> -> memref<640x128xbf16, #tpu.memory_space<hbm>>
      tpu.enqueue_dma source(%dma_start3A_18 : memref<640x128xbf16, #tpu.memory_space<hbm>>) target(%dma_start3A_16 : memref<640x128xbf16, #tpu.memory_space<vmem_shared>>) target_semaphore(%run_scoped3A : memref<!tpu.dma_semaphore, #tpu.memory_space<semaphore_mem>>)
      %dma_wait3A = arith.constant 0 : i32
      %dma_wait3A_19 = tpu.memref_slice %arg11[%mul3A_2, %dma_wait3A] : memref<10240x128xbf16, #tpu.memory_space<vmem_shared>> -> memref<640x128xbf16, #tpu.memory_space<vmem_shared>>
      %dma_wait3A_20 = arith.constant 0 : i32
      %dma_wait3A_21 = tpu.memref_slice %arg5[%mul3A_2, %dma_wait3A_20] : memref<10240x128xbf16, #tpu.memory_space<hbm>> -> memref<640x128xbf16, #tpu.memory_space<hbm>>
      tpu.wait_dma2 semaphore(%run_scoped3A : memref<!tpu.dma_semaphore, #tpu.memory_space<semaphore_mem>>) src(%dma_wait3A_21 : memref<640x128xbf16, #tpu.memory_space<hbm>>) dst(%dma_wait3A_19 : memref<640x128xbf16, #tpu.memory_space<vmem_shared>>)
      tpu.yield
    }) : () -> ()
    "tpu.region"() ({
      %run_scoped3A = tpu.sem_alloc : memref<!tpu.dma_semaphore, #tpu.memory_space<semaphore_mem>>
      %dma_start3A_15 = arith.constant 0 : i32
      %dma_start3A_16 = arith.constant 0 : i32
      %dma_start3A_17 = tpu.memref_slice %arg3[%add3A, %dma_start3A_15, %dma_start3A_16] : memref<32x40x125xi32, #tpu.memory_space<hbm>> -> memref<1x40x125xi32, #tpu.memory_space<hbm>>
      %dma_start3A_18 = tpu.memref_squeeze %dma_start3A_17 : memref<1x40x125xi32, #tpu.memory_space<hbm>> -> memref<40x125xi32, #tpu.memory_space<hbm>>
      %dma_start3A_19 = arith.constant 0 : i32
      %dma_start3A_20 = arith.constant 0 : i32
      %dma_start3A_21 = tpu.memref_slice %arg3[%add3A, %dma_start3A_19, %dma_start3A_20] : memref<32x40x125xi32, #tpu.memory_space<hbm>> -> memref<1x40x125xi32, #tpu.memory_space<hbm>>
      %dma_start3A_22 = tpu.memref_squeeze %dma_start3A_21 : memref<1x40x125xi32, #tpu.memory_space<hbm>> -> memref<40x125xi32, #tpu.memory_space<hbm>>
      tpu.enqueue_dma source(%dma_start3A_22 : memref<40x125xi32, #tpu.memory_space<hbm>>) target(%arg7 : memref<40x125xi32, #tpu.memory_space<vmem>>) target_semaphore(%run_scoped3A : memref<!tpu.dma_semaphore, #tpu.memory_space<semaphore_mem>>)
      %dma_wait3A = arith.constant 0 : i32
      %dma_wait3A_23 = arith.constant 0 : i32
      %dma_wait3A_24 = tpu.memref_slice %arg3[%add3A, %dma_wait3A, %dma_wait3A_23] : memref<32x40x125xi32, #tpu.memory_space<hbm>> -> memref<1x40x125xi32, #tpu.memory_space<hbm>>
      %dma_wait3A_25 = tpu.memref_squeeze %dma_wait3A_24 : memref<1x40x125xi32, #tpu.memory_space<hbm>> -> memref<40x125xi32, #tpu.memory_space<hbm>>
      %dma_wait3A_26 = arith.constant 0 : i32
      %dma_wait3A_27 = arith.constant 0 : i32
      %dma_wait3A_28 = tpu.memref_slice %arg3[%add3A, %dma_wait3A_26, %dma_wait3A_27] : memref<32x40x125xi32, #tpu.memory_space<hbm>> -> memref<1x40x125xi32, #tpu.memory_space<hbm>>
      %dma_wait3A_29 = tpu.memref_squeeze %dma_wait3A_28 : memref<1x40x125xi32, #tpu.memory_space<hbm>> -> memref<40x125xi32, #tpu.memory_space<hbm>>
      tpu.wait_dma2 semaphore(%run_scoped3A : memref<!tpu.dma_semaphore, #tpu.memory_space<semaphore_mem>>) src(%dma_wait3A_29 : memref<40x125xi32, #tpu.memory_space<hbm>>) dst(%arg7 : memref<40x125xi32, #tpu.memory_space<vmem>>)
      tpu.yield
    }) : () -> ()
    "tpu.region"() ({
      %run_scoped3A = tpu.sem_alloc : memref<!tpu.dma_semaphore, #tpu.memory_space<semaphore_mem>>
      %dma_start3A_15 = arith.constant 0 : i32
      %dma_start3A_16 = arith.constant 0 : i32
      %dma_start3A_17 = tpu.memref_slice %arg4[%add3A, %dma_start3A_15, %dma_start3A_16] : memref<32x40x125xi32, #tpu.memory_space<hbm>> -> memref<1x40x125xi32, #tpu.memory_space<hbm>>
      %dma_start3A_18 = tpu.memref_squeeze %dma_start3A_17 : memref<1x40x125xi32, #tpu.memory_space<hbm>> -> memref<40x125xi32, #tpu.memory_space<hbm>>
      %dma_start3A_19 = arith.constant 0 : i32
      %dma_start3A_20 = arith.constant 0 : i32
      %dma_start3A_21 = tpu.memref_slice %arg4[%add3A, %dma_start3A_19, %dma_start3A_20] : memref<32x40x125xi32, #tpu.memory_space<hbm>> -> memref<1x40x125xi32, #tpu.memory_space<hbm>>
      %dma_start3A_22 = tpu.memref_squeeze %dma_start3A_21 : memref<1x40x125xi32, #tpu.memory_space<hbm>> -> memref<40x125xi32, #tpu.memory_space<hbm>>
      tpu.enqueue_dma source(%dma_start3A_22 : memref<40x125xi32, #tpu.memory_space<hbm>>) target(%arg8 : memref<40x125xi32, #tpu.memory_space<vmem>>) target_semaphore(%run_scoped3A : memref<!tpu.dma_semaphore, #tpu.memory_space<semaphore_mem>>)
      %dma_wait3A = arith.constant 0 : i32
      %dma_wait3A_23 = arith.constant 0 : i32
      %dma_wait3A_24 = tpu.memref_slice %arg4[%add3A, %dma_wait3A, %dma_wait3A_23] : memref<32x40x125xi32, #tpu.memory_space<hbm>> -> memref<1x40x125xi32, #tpu.memory_space<hbm>>
      %dma_wait3A_25 = tpu.memref_squeeze %dma_wait3A_24 : memref<1x40x125xi32, #tpu.memory_space<hbm>> -> memref<40x125xi32, #tpu.memory_space<hbm>>
      %dma_wait3A_26 = arith.constant 0 : i32
      %dma_wait3A_27 = arith.constant 0 : i32
      %dma_wait3A_28 = tpu.memref_slice %arg4[%add3A, %dma_wait3A_26, %dma_wait3A_27] : memref<32x40x125xi32, #tpu.memory_space<hbm>> -> memref<1x40x125xi32, #tpu.memory_space<hbm>>
      %dma_wait3A_29 = tpu.memref_squeeze %dma_wait3A_28 : memref<1x40x125xi32, #tpu.memory_space<hbm>> -> memref<40x125xi32, #tpu.memory_space<hbm>>
      tpu.wait_dma2 semaphore(%run_scoped3A : memref<!tpu.dma_semaphore, #tpu.memory_space<semaphore_mem>>) src(%dma_wait3A_29 : memref<40x125xi32, #tpu.memory_space<hbm>>) dst(%arg8 : memref<40x125xi32, #tpu.memory_space<vmem>>)
      tpu.yield
    }) : () -> ()
    %barrier3A = arith.constant 0 : index
    tpu.barrier barrier_id(%barrier3A)
    %dma_start3A = arith.constant 0 : i32
    %dma_start3A_3 = arith.constant 0 : i32
    %dma_start3A_4 = tpu.memref_slice %arg7[%dma_start3A, %dma_start3A_3] : memref<40x125xi32, #tpu.memory_space<vmem>> -> memref<1x125xi32, #tpu.memory_space<vmem>>
    %dma_start3A_5 = tpu.memref_squeeze %dma_start3A_4 : memref<1x125xi32, #tpu.memory_space<vmem>> -> memref<125xi32, #tpu.memory_space<vmem>>
    %dma_start3A_6 = arith.constant 0 : i32
    %dma_start3A_7 = arith.constant 0 : i32
    %dma_start3A_8 = tpu.memref_slice %arg2[%dma_start3A_6, %dma_start3A_7] : memref<10000x128xbf16, #tpu.memory_space<hbm>> -> memref<10000x128xbf16, #tpu.memory_space<hbm>>
    tpu.enqueue_indirect_dma source(%dma_start3A_8 : memref<10000x128xbf16, #tpu.memory_space<hbm>>) target(%arg9 : memref<125x128xbf16, #tpu.memory_space<vmem>>) offsets(%dma_start3A_5 : memref<125xi32, #tpu.memory_space<vmem>>) semaphore(%arg12 : memref<!tpu.dma_semaphore, #tpu.memory_space<semaphore_mem>>)
    %scan3A = arith.constant 0 : i32
    %scan3A_9 = arith.constant 0 : i32
    %scan3A_10 = arith.constant 20 : i32
    %scan3A_11 = arith.addi %scan3A_9, %scan3A_10 : i32
    %scan3A_12 = arith.constant 1 : i32
    scf.for %scan3A_15 = %scan3A_9 to %scan3A_11 step %scan3A_12  : i32 {
      %mul3A_16 = arith.constant 2 : i32
      %mul3A_17 = arith.muli %mul3A_16, %scan3A_15 : i32
      %add3A_18 = arith.constant 1 : i32
      %add3A_19 = arith.addi %mul3A_17, %add3A_18 : i32
      %dma_start3A_20 = arith.constant 0 : i32
      %dma_start3A_21 = tpu.memref_slice %arg7[%add3A_19, %dma_start3A_20] : memref<40x125xi32, #tpu.memory_space<vmem>> -> memref<1x125xi32, #tpu.memory_space<vmem>>
      %dma_start3A_22 = tpu.memref_squeeze %dma_start3A_21 : memref<1x125xi32, #tpu.memory_space<vmem>> -> memref<125xi32, #tpu.memory_space<vmem>>
      %dma_start3A_23 = arith.constant 0 : i32
      %dma_start3A_24 = arith.constant 0 : i32
      %dma_start3A_25 = tpu.memref_slice %arg2[%dma_start3A_23, %dma_start3A_24] : memref<10000x128xbf16, #tpu.memory_space<hbm>> -> memref<10000x128xbf16, #tpu.memory_space<hbm>>
      tpu.enqueue_indirect_dma source(%dma_start3A_25 : memref<10000x128xbf16, #tpu.memory_space<hbm>>) target(%arg10 : memref<125x128xbf16, #tpu.memory_space<vmem>>) offsets(%dma_start3A_22 : memref<125xi32, #tpu.memory_space<vmem>>) semaphore(%arg13 : memref<!tpu.dma_semaphore, #tpu.memory_space<semaphore_mem>>)
      %dma_wait3A = arith.constant 0 : i32
      %dma_wait3A_26 = tpu.memref_slice %arg7[%mul3A_17, %dma_wait3A] : memref<40x125xi32, #tpu.memory_space<vmem>> -> memref<1x125xi32, #tpu.memory_space<vmem>>
      %dma_wait3A_27 = tpu.memref_squeeze %dma_wait3A_26 : memref<1x125xi32, #tpu.memory_space<vmem>> -> memref<125xi32, #tpu.memory_space<vmem>>
      %dma_wait3A_28 = arith.constant 0 : i32
      %dma_wait3A_29 = arith.constant 0 : i32
      %dma_wait3A_30 = tpu.memref_slice %arg2[%dma_wait3A_28, %dma_wait3A_29] : memref<10000x128xbf16, #tpu.memory_space<hbm>> -> memref<10000x128xbf16, #tpu.memory_space<hbm>>
      tpu.wait_indirect_dma semaphore(%arg12 : memref<!tpu.dma_semaphore, #tpu.memory_space<semaphore_mem>>) src(%dma_wait3A_30 : memref<10000x128xbf16, #tpu.memory_space<hbm>>) dst(%arg9 : memref<125x128xbf16, #tpu.memory_space<vmem>>)
      "tpu.region"() ({
        %run_scoped3A = tpu.sem_alloc : memref<!tpu.dma_semaphore, #tpu.memory_space<semaphore_mem>>
        %dma_start3A_43 = arith.constant 0 : i32
        %dma_start3A_44 = tpu.memref_slice %arg8[%mul3A_17, %dma_start3A_43] : memref<40x125xi32, #tpu.memory_space<vmem>> -> memref<1x125xi32, #tpu.memory_space<vmem>>
        %dma_start3A_45 = tpu.memref_squeeze %dma_start3A_44 : memref<1x125xi32, #tpu.memory_space<vmem>> -> memref<125xi32, #tpu.memory_space<vmem>>
        %dma_start3A_46 = arith.constant 0 : i32
        %dma_start3A_47 = arith.constant 0 : i32
        %dma_start3A_48 = tpu.memref_slice %arg11[%dma_start3A_46, %dma_start3A_47] : memref<10240x128xbf16, #tpu.memory_space<vmem_shared>> -> memref<10240x128xbf16, #tpu.memory_space<vmem_shared>>
        tpu.enqueue_indirect_dma source(%arg9 : memref<125x128xbf16, #tpu.memory_space<vmem>>) target(%dma_start3A_48 : memref<10240x128xbf16, #tpu.memory_space<vmem_shared>>) offsets(%dma_start3A_45 : memref<125xi32, #tpu.memory_space<vmem>>) semaphore(%run_scoped3A : memref<!tpu.dma_semaphore, #tpu.memory_space<semaphore_mem>>) {add = true}
        %dma_wait3A_49 = arith.constant 0 : i32
        %dma_wait3A_50 = tpu.memref_slice %arg8[%mul3A_17, %dma_wait3A_49] : memref<40x125xi32, #tpu.memory_space<vmem>> -> memref<1x125xi32, #tpu.memory_space<vmem>>
        %dma_wait3A_51 = tpu.memref_squeeze %dma_wait3A_50 : memref<1x125xi32, #tpu.memory_space<vmem>> -> memref<125xi32, #tpu.memory_space<vmem>>
        %dma_wait3A_52 = arith.constant 0 : i32
        %dma_wait3A_53 = arith.constant 0 : i32
        %dma_wait3A_54 = tpu.memref_slice %arg11[%dma_wait3A_52, %dma_wait3A_53] : memref<10240x128xbf16, #tpu.memory_space<vmem_shared>> -> memref<10240x128xbf16, #tpu.memory_space<vmem_shared>>
        tpu.wait_indirect_dma semaphore(%run_scoped3A : memref<!tpu.dma_semaphore, #tpu.memory_space<semaphore_mem>>) src(%arg9 : memref<125x128xbf16, #tpu.memory_space<vmem>>) dst(%dma_wait3A_54 : memref<10240x128xbf16, #tpu.memory_space<vmem_shared>>)
        tpu.yield
      }) : () -> ()
      %lt3A = arith.constant 19 : i32
      %lt3A_31 = arith.cmpi slt, %scan3A_15, %lt3A : i32
      %convert_element_type3A = arith.extui %lt3A_31 : i1 to i32
      %cond3A = arith.constant 0 : i32
      %cond3A_32 = arith.cmpi ne, %convert_element_type3A, %cond3A : i32
      scf.if %cond3A_32 {
        %add3A_43 = arith.constant 2 : i32
        %add3A_44 = arith.addi %mul3A_17, %add3A_43 : i32
        %dma_start3A_45 = arith.constant 0 : i32
        %dma_start3A_46 = tpu.memref_slice %arg7[%add3A_44, %dma_start3A_45] : memref<40x125xi32, #tpu.memory_space<vmem>> -> memref<1x125xi32, #tpu.memory_space<vmem>>
        %dma_start3A_47 = tpu.memref_squeeze %dma_start3A_46 : memref<1x125xi32, #tpu.memory_space<vmem>> -> memref<125xi32, #tpu.memory_space<vmem>>
        %dma_start3A_48 = arith.constant 0 : i32
        %dma_start3A_49 = arith.constant 0 : i32
        %dma_start3A_50 = tpu.memref_slice %arg2[%dma_start3A_48, %dma_start3A_49] : memref<10000x128xbf16, #tpu.memory_space<hbm>> -> memref<10000x128xbf16, #tpu.memory_space<hbm>>
        tpu.enqueue_indirect_dma source(%dma_start3A_50 : memref<10000x128xbf16, #tpu.memory_space<hbm>>) target(%arg9 : memref<125x128xbf16, #tpu.memory_space<vmem>>) offsets(%dma_start3A_47 : memref<125xi32, #tpu.memory_space<vmem>>) semaphore(%arg12 : memref<!tpu.dma_semaphore, #tpu.memory_space<semaphore_mem>>)
      } else {
      }
      %add3A_33 = arith.constant 1 : i32
      %add3A_34 = arith.addi %mul3A_17, %add3A_33 : i32
      %dma_wait3A_35 = arith.constant 0 : i32
      %dma_wait3A_36 = tpu.memref_slice %arg7[%add3A_34, %dma_wait3A_35] : memref<40x125xi32, #tpu.memory_space<vmem>> -> memref<1x125xi32, #tpu.memory_space<vmem>>
      %dma_wait3A_37 = tpu.memref_squeeze %dma_wait3A_36 : memref<1x125xi32, #tpu.memory_space<vmem>> -> memref<125xi32, #tpu.memory_space<vmem>>
      %dma_wait3A_38 = arith.constant 0 : i32
      %dma_wait3A_39 = arith.constant 0 : i32
      %dma_wait3A_40 = tpu.memref_slice %arg2[%dma_wait3A_38, %dma_wait3A_39] : memref<10000x128xbf16, #tpu.memory_space<hbm>> -> memref<10000x128xbf16, #tpu.memory_space<hbm>>
      tpu.wait_indirect_dma semaphore(%arg13 : memref<!tpu.dma_semaphore, #tpu.memory_space<semaphore_mem>>) src(%dma_wait3A_40 : memref<10000x128xbf16, #tpu.memory_space<hbm>>) dst(%arg10 : memref<125x128xbf16, #tpu.memory_space<vmem>>)
      %add3A_41 = arith.constant 1 : i32
      %add3A_42 = arith.addi %mul3A_17, %add3A_41 : i32
      "tpu.region"() ({
        %run_scoped3A = tpu.sem_alloc : memref<!tpu.dma_semaphore, #tpu.memory_space<semaphore_mem>>
        %dma_start3A_43 = arith.constant 0 : i32
        %dma_start3A_44 = tpu.memref_slice %arg8[%add3A_42, %dma_start3A_43] : memref<40x125xi32, #tpu.memory_space<vmem>> -> memref<1x125xi32, #tpu.memory_space<vmem>>
        %dma_start3A_45 = tpu.memref_squeeze %dma_start3A_44 : memref<1x125xi32, #tpu.memory_space<vmem>> -> memref<125xi32, #tpu.memory_space<vmem>>
        %dma_start3A_46 = arith.constant 0 : i32
        %dma_start3A_47 = arith.constant 0 : i32
        %dma_start3A_48 = tpu.memref_slice %arg11[%dma_start3A_46, %dma_start3A_47] : memref<10240x128xbf16, #tpu.memory_space<vmem_shared>> -> memref<10240x128xbf16, #tpu.memory_space<vmem_shared>>
        tpu.enqueue_indirect_dma source(%arg10 : memref<125x128xbf16, #tpu.memory_space<vmem>>) target(%dma_start3A_48 : memref<10240x128xbf16, #tpu.memory_space<vmem_shared>>) offsets(%dma_start3A_45 : memref<125xi32, #tpu.memory_space<vmem>>) semaphore(%run_scoped3A : memref<!tpu.dma_semaphore, #tpu.memory_space<semaphore_mem>>) {add = true}
        %dma_wait3A_49 = arith.constant 0 : i32
        %dma_wait3A_50 = tpu.memref_slice %arg8[%add3A_42, %dma_wait3A_49] : memref<40x125xi32, #tpu.memory_space<vmem>> -> memref<1x125xi32, #tpu.memory_space<vmem>>
        %dma_wait3A_51 = tpu.memref_squeeze %dma_wait3A_50 : memref<1x125xi32, #tpu.memory_space<vmem>> -> memref<125xi32, #tpu.memory_space<vmem>>
        %dma_wait3A_52 = arith.constant 0 : i32
        %dma_wait3A_53 = arith.constant 0 : i32
        %dma_wait3A_54 = tpu.memref_slice %arg11[%dma_wait3A_52, %dma_wait3A_53] : memref<10240x128xbf16, #tpu.memory_space<vmem_shared>> -> memref<10240x128xbf16, #tpu.memory_space<vmem_shared>>
        tpu.wait_indirect_dma semaphore(%run_scoped3A : memref<!tpu.dma_semaphore, #tpu.memory_space<semaphore_mem>>) src(%arg10 : memref<125x128xbf16, #tpu.memory_space<vmem>>) dst(%dma_wait3A_54 : memref<10240x128xbf16, #tpu.memory_space<vmem_shared>>)
        tpu.yield
      }) : () -> ()
    }
    %scan3A_13 = arith.constant 20 : i32
    %barrier3A_14 = arith.constant 0 : index
    tpu.barrier barrier_id(%barrier3A_14)
    "tpu.region"() ({
      %run_scoped3A = tpu.sem_alloc : memref<!tpu.dma_semaphore, #tpu.memory_space<semaphore_mem>>
      %dma_start3A_15 = arith.constant 0 : i32
      %dma_start3A_16 = tpu.memref_slice %arg6[%arg0, %mul3A_2, %dma_start3A_15] : memref<2x10240x128xbf16, #tpu.memory_space<hbm>> -> memref<1x640x128xbf16, #tpu.memory_space<hbm>>
      %dma_start3A_17 = tpu.memref_squeeze %dma_start3A_16 : memref<1x640x128xbf16, #tpu.memory_space<hbm>> -> memref<640x128xbf16, #tpu.memory_space<hbm>>
      %dma_start3A_18 = arith.constant 0 : i32
      %dma_start3A_19 = tpu.memref_slice %arg11[%mul3A_2, %dma_start3A_18] : memref<10240x128xbf16, #tpu.memory_space<vmem_shared>> -> memref<640x128xbf16, #tpu.memory_space<vmem_shared>>
      tpu.enqueue_dma source(%dma_start3A_19 : memref<640x128xbf16, #tpu.memory_space<vmem_shared>>) target(%dma_start3A_17 : memref<640x128xbf16, #tpu.memory_space<hbm>>) target_semaphore(%run_scoped3A : memref<!tpu.dma_semaphore, #tpu.memory_space<semaphore_mem>>)
      %dma_wait3A = arith.constant 0 : i32
      %dma_wait3A_20 = tpu.memref_slice %arg6[%arg0, %mul3A_2, %dma_wait3A] : memref<2x10240x128xbf16, #tpu.memory_space<hbm>> -> memref<1x640x128xbf16, #tpu.memory_space<hbm>>
      %dma_wait3A_21 = tpu.memref_squeeze %dma_wait3A_20 : memref<1x640x128xbf16, #tpu.memory_space<hbm>> -> memref<640x128xbf16, #tpu.memory_space<hbm>>
      %dma_wait3A_22 = arith.constant 0 : i32
      %dma_wait3A_23 = tpu.memref_slice %arg11[%mul3A_2, %dma_wait3A_22] : memref<10240x128xbf16, #tpu.memory_space<vmem_shared>> -> memref<640x128xbf16, #tpu.memory_space<vmem_shared>>
      tpu.wait_dma2 semaphore(%run_scoped3A : memref<!tpu.dma_semaphore, #tpu.memory_space<semaphore_mem>>) src(%dma_wait3A_23 : memref<640x128xbf16, #tpu.memory_space<vmem_shared>>) dst(%dma_wait3A_21 : memref<640x128xbf16, #tpu.memory_space<hbm>>)
      tpu.yield
    }) : () -> ()
    return
  }
}

module attributes {stable_mosaic.version = 14 : i64} {
  func.func @_k1_body(%arg0: i32, %arg1: memref<2000x300xf32, #tpu.memory_space<vmem>>, %arg2: memref<150x300xf32, #tpu.memory_space<vmem>>, %arg3: memref<2000x128xbf16, #tpu.memory_space<vmem>>, %arg4: memref<2000x32xbf16, #tpu.memory_space<vmem>>) attributes {dimension_semantics = [#tpu.dimension_semantics<arbitrary>], iteration_bounds = array<i64: 5>, scalar_prefetch = 0 : i64, scratch_operands = 0 : i64, tpu.core_type = #tpu.core_type<tc>, window_params = [{transform_indices = @transform_0, window_bounds = array<i64: 2000, 300>}, {pipeline_mode = #tpu.pipeline_mode<synchronous>, transform_indices = @transform_1, window_bounds = array<i64: 150, 300>}, {transform_indices = @transform_2, window_bounds = array<i64: 2000, 128>}, {transform_indices = @transform_3, window_bounds = array<i64: 2000, 32>}]} {
    %get3A = arith.constant 0 : index
    %get3A_0 = arith.constant 0 : index
    %get3A_1 = vector.load %arg1[%get3A, %get3A_0] : memref<2000x300xf32, #tpu.memory_space<vmem>>, vector<2000x300xf32>
    %get3A_2 = arith.constant 0 : index
    %get3A_3 = arith.constant 0 : index
    %get3A_4 = vector.load %arg2[%get3A_2, %get3A_3] : memref<150x300xf32, #tpu.memory_space<vmem>>, vector<150x300xf32>
    %dot_general3A = arith.constant dense<0.000000e+00> : vector<2000x150xf32>
    %dot_general3A_5 = tpu.matmul %get3A_1, %get3A_4, %dot_general3A {dimension_numbers = #tpu.dot_dimension_numbers<[1], [1], [0], [0], [0, 0, 1, 0], [], []>, transpose_lhs_hint = false} : vector<2000x300xf32>, vector<150x300xf32>, vector<2000x150xf32> -> vector<2000x150xf32>
    %broadcast_in_dim3A = arith.constant 1.000000e+00 : f32
    %broadcast_in_dim3A_6 = vector.broadcast %broadcast_in_dim3A : f32 to vector<2000x1xf32>
    %broadcast_in_dim3A_7 = arith.constant 0.000000e+00 : f32
    %broadcast_in_dim3A_8 = vector.broadcast %broadcast_in_dim3A_7 : f32 to vector<2000x9xf32>
    %slice3A = vector.extract_strided_slice %dot_general3A_5 {offsets = [0, 0], sizes = [2000, 128], strides = [1, 1]} : vector<2000x150xf32> to vector<2000x128xf32>
    %slice3A_9 = vector.extract_strided_slice %dot_general3A_5 {offsets = [0, 128], sizes = [2000, 22], strides = [1, 1]} : vector<2000x150xf32> to vector<2000x22xf32>
    %concatenate3A = tpu.concatenate %slice3A_9, %broadcast_in_dim3A_6, %broadcast_in_dim3A_8 in 1 : vector<2000x22xf32>, vector<2000x1xf32>, vector<2000x9xf32> -> vector<2000x32xf32>
    %convert_element_type3A = arith.truncf %slice3A : vector<2000x128xf32> to vector<2000x128xbf16>
    %swap3A = arith.constant 0 : index
    %swap3A_10 = arith.constant 0 : index
    %swap3A_11 = vector.load %arg3[%swap3A, %swap3A_10] : memref<2000x128xbf16, #tpu.memory_space<vmem>>, vector<2000x128xbf16>
    tpu.vector_store %arg3[%swap3A, %swap3A_10], %convert_element_type3A {strides = array<i32>} : memref<2000x128xbf16, #tpu.memory_space<vmem>>, vector<2000x128xbf16>,
    %convert_element_type3A_12 = arith.truncf %concatenate3A : vector<2000x32xf32> to vector<2000x32xbf16>
    %swap3A_13 = arith.constant 0 : index
    %swap3A_14 = arith.constant 0 : index
    %swap3A_15 = vector.load %arg4[%swap3A_13, %swap3A_14] : memref<2000x32xbf16, #tpu.memory_space<vmem>>, vector<2000x32xbf16>
    tpu.vector_store %arg4[%swap3A_13, %swap3A_14], %convert_element_type3A_12 {strides = array<i32>} : memref<2000x32xbf16, #tpu.memory_space<vmem>>, vector<2000x32xbf16>,
    return
  }
  func.func @transform_0(%arg0: i32) -> (i32, i32) {
    %c0_i32 = arith.constant 0 : i32
    %c0_i32_0 = arith.constant 0 : i32
    return %arg0, %c0_i32 : i32, i32
  }
  func.func @transform_1(%arg0: i32) -> (i32, i32) {
    %c0_i32 = arith.constant 0 : i32
    %c0_i32_0 = arith.constant 0 : i32
    %c0_i32_1 = arith.constant 0 : i32
    return %c0_i32, %c0_i32_0 : i32, i32
  }
  func.func @transform_2(%arg0: i32) -> (i32, i32) {
    %c0_i32 = arith.constant 0 : i32
    %c0_i32_0 = arith.constant 0 : i32
    return %arg0, %c0_i32 : i32, i32
  }
  func.func @transform_3(%arg0: i32) -> (i32, i32) {
    %c0_i32 = arith.constant 0 : i32
    %c0_i32_0 = arith.constant 0 : i32
    return %arg0, %c0_i32 : i32, i32
  }
}

module attributes {stable_mosaic.version = 14 : i64} {
  func.func @_k3_body(%arg0: i32, %arg1: memref<2x2000x128xbf16, #tpu.memory_space<vmem>>, %arg2: memref<2x2000x32xbf16, #tpu.memory_space<vmem>>, %arg3: memref<2000x300xf32, #tpu.memory_space<vmem>>, %arg4: memref<150x300xf32, #tpu.memory_space<vmem>>, %arg5: memref<1x150xf32, #tpu.memory_space<vmem>>, %arg6: memref<2000x128xbf16, #tpu.memory_space<vmem>>, %arg7: memref<2000x32xbf16, #tpu.memory_space<vmem>>) attributes {dimension_semantics = [#tpu.dimension_semantics<arbitrary>], iteration_bounds = array<i64: 5>, scalar_prefetch = 0 : i64, scratch_operands = 0 : i64, tpu.core_type = #tpu.core_type<tc>, window_params = [{transform_indices = @transform_0, window_bounds = array<i64: 2, 2000, 128>}, {transform_indices = @transform_1, window_bounds = array<i64: 2, 2000, 32>}, {transform_indices = @transform_2, window_bounds = array<i64: 2000, 300>}, {pipeline_mode = #tpu.pipeline_mode<synchronous>, transform_indices = @transform_3, window_bounds = array<i64: 150, 300>}, {pipeline_mode = #tpu.pipeline_mode<synchronous>, transform_indices = @transform_4, window_bounds = array<i64: 1, 150>}, {transform_indices = @transform_5, window_bounds = array<i64: 2000, 128>}, {transform_indices = @transform_6, window_bounds = array<i64: 2000, 32>}]} {
    %get3A = arith.constant 0 : index
    %get3A_0 = arith.constant 0 : index
    %get3A_1 = arith.constant 0 : index
    %get3A_2 = vector.load %arg1[%get3A, %get3A_0, %get3A_1] : memref<2x2000x128xbf16, #tpu.memory_space<vmem>>, vector<1x2000x128xbf16>
    %get3A_3 = vector.shape_cast %get3A_2 : vector<1x2000x128xbf16> to vector<2000x128xbf16>
    %convert_element_type3A = arith.extf %get3A_3 : vector<2000x128xbf16> to vector<2000x128xf32>
    %get3A_4 = arith.constant 1 : index
    %get3A_5 = arith.constant 0 : index
    %get3A_6 = arith.constant 0 : index
    %get3A_7 = vector.load %arg1[%get3A_4, %get3A_5, %get3A_6] : memref<2x2000x128xbf16, #tpu.memory_space<vmem>>, vector<1x2000x128xbf16>
    %get3A_8 = vector.shape_cast %get3A_7 : vector<1x2000x128xbf16> to vector<2000x128xbf16>
    %convert_element_type3A_9 = arith.extf %get3A_8 : vector<2000x128xbf16> to vector<2000x128xf32>
    %add3A = arith.addf %convert_element_type3A, %convert_element_type3A_9 : vector<2000x128xf32>
    %get3A_10 = arith.constant 0 : index
    %get3A_11 = arith.constant 0 : index
    %get3A_12 = arith.constant 0 : index
    %get3A_13 = vector.load %arg2[%get3A_10, %get3A_11, %get3A_12] : memref<2x2000x32xbf16, #tpu.memory_space<vmem>>, vector<1x2000x32xbf16>
    %get3A_14 = vector.shape_cast %get3A_13 : vector<1x2000x32xbf16> to vector<2000x32xbf16>
    %convert_element_type3A_15 = arith.extf %get3A_14 : vector<2000x32xbf16> to vector<2000x32xf32>
    %get3A_16 = arith.constant 1 : index
    %get3A_17 = arith.constant 0 : index
    %get3A_18 = arith.constant 0 : index
    %get3A_19 = vector.load %arg2[%get3A_16, %get3A_17, %get3A_18] : memref<2x2000x32xbf16, #tpu.memory_space<vmem>>, vector<1x2000x32xbf16>
    %get3A_20 = vector.shape_cast %get3A_19 : vector<1x2000x32xbf16> to vector<2000x32xbf16>
    %convert_element_type3A_21 = arith.extf %get3A_20 : vector<2000x32xbf16> to vector<2000x32xf32>
    %add3A_22 = arith.addf %convert_element_type3A_15, %convert_element_type3A_21 : vector<2000x32xf32>
    %slice3A = vector.extract_strided_slice %add3A_22 {offsets = [0, 22], sizes = [2000, 1], strides = [1, 1]} : vector<2000x32xf32> to vector<2000x1xf32>
    %max3A = arith.constant 1.000000e+00 : f32
    %max3A_23 = vector.broadcast %max3A : f32 to vector<2000x1xf32>
    %max3A_24 = arith.maximumf %slice3A, %max3A_23 : vector<2000x1xf32>
    %slice3A_25 = vector.extract_strided_slice %add3A_22 {offsets = [0, 0], sizes = [2000, 22], strides = [1, 1]} : vector<2000x32xf32> to vector<2000x22xf32>
    %concatenate3A = tpu.concatenate %add3A, %slice3A_25 in 1 : vector<2000x128xf32>, vector<2000x22xf32> -> vector<2000x150xf32>
    %div3A = vector.broadcast %max3A_24 : vector<2000x1xf32> to vector<2000x150xf32>
    %div3A_26 = arith.divf %concatenate3A, %div3A : vector<2000x150xf32>
    %get3A_27 = arith.constant 0 : index
    %get3A_28 = arith.constant 0 : index
    %get3A_29 = vector.load %arg3[%get3A_27, %get3A_28] : memref<2000x300xf32, #tpu.memory_space<vmem>>, vector<2000x300xf32>
    %get3A_30 = arith.constant 0 : index
    %get3A_31 = arith.constant 0 : index
    %get3A_32 = vector.load %arg4[%get3A_30, %get3A_31] : memref<150x300xf32, #tpu.memory_space<vmem>>, vector<150x300xf32>
    %dot_general3A = arith.constant dense<0.000000e+00> : vector<2000x150xf32>
    %dot_general3A_33 = tpu.matmul %get3A_29, %get3A_32, %dot_general3A {dimension_numbers = #tpu.dot_dimension_numbers<[1], [1], [0], [0], [0, 0, 1, 0], [], []>, transpose_lhs_hint = false} : vector<2000x300xf32>, vector<150x300xf32>, vector<2000x150xf32> -> vector<2000x150xf32>
    %add3A_34 = arith.addf %div3A_26, %dot_general3A_33 : vector<2000x150xf32>
    %get3A_35 = arith.constant 0 : index
    %get3A_36 = arith.constant 0 : index
    %get3A_37 = vector.load %arg5[%get3A_35, %get3A_36] : memref<1x150xf32, #tpu.memory_space<vmem>>, vector<1x150xf32>
    %add3A_38 = vector.broadcast %get3A_37 : vector<1x150xf32> to vector<2000x150xf32>
    %add3A_39 = arith.addf %add3A_34, %add3A_38 : vector<2000x150xf32>
    %max3A_40 = arith.constant 0.000000e+00 : f32
    %max3A_41 = vector.broadcast %max3A_40 : f32 to vector<2000x150xf32>
    %max3A_42 = arith.maximumf %add3A_39, %max3A_41 : vector<2000x150xf32>
    %broadcast_in_dim3A = arith.constant 1.000000e+00 : f32
    %broadcast_in_dim3A_43 = vector.broadcast %broadcast_in_dim3A : f32 to vector<2000x1xf32>
    %broadcast_in_dim3A_44 = arith.constant 0.000000e+00 : f32
    %broadcast_in_dim3A_45 = vector.broadcast %broadcast_in_dim3A_44 : f32 to vector<2000x9xf32>
    %slice3A_46 = vector.extract_strided_slice %max3A_42 {offsets = [0, 0], sizes = [2000, 128], strides = [1, 1]} : vector<2000x150xf32> to vector<2000x128xf32>
    %slice3A_47 = vector.extract_strided_slice %max3A_42 {offsets = [0, 128], sizes = [2000, 22], strides = [1, 1]} : vector<2000x150xf32> to vector<2000x22xf32>
    %concatenate3A_48 = tpu.concatenate %slice3A_47, %broadcast_in_dim3A_43, %broadcast_in_dim3A_45 in 1 : vector<2000x22xf32>, vector<2000x1xf32>, vector<2000x9xf32> -> vector<2000x32xf32>
    %convert_element_type3A_49 = arith.truncf %slice3A_46 : vector<2000x128xf32> to vector<2000x128xbf16>
    %swap3A = arith.constant 0 : index
    %swap3A_50 = arith.constant 0 : index
    %swap3A_51 = vector.load %arg6[%swap3A, %swap3A_50] : memref<2000x128xbf16, #tpu.memory_space<vmem>>, vector<2000x128xbf16>
    tpu.vector_store %arg6[%swap3A, %swap3A_50], %convert_element_type3A_49 {strides = array<i32>} : memref<2000x128xbf16, #tpu.memory_space<vmem>>, vector<2000x128xbf16>,
    %convert_element_type3A_52 = arith.truncf %concatenate3A_48 : vector<2000x32xf32> to vector<2000x32xbf16>
    %swap3A_53 = arith.constant 0 : index
    %swap3A_54 = arith.constant 0 : index
    %swap3A_55 = vector.load %arg7[%swap3A_53, %swap3A_54] : memref<2000x32xbf16, #tpu.memory_space<vmem>>, vector<2000x32xbf16>
    tpu.vector_store %arg7[%swap3A_53, %swap3A_54], %convert_element_type3A_52 {strides = array<i32>} : memref<2000x32xbf16, #tpu.memory_space<vmem>>, vector<2000x32xbf16>,
    return
  }
  func.func @transform_0(%arg0: i32) -> (i32, i32, i32) {
    %c0_i32 = arith.constant 0 : i32
    %c0_i32_0 = arith.constant 0 : i32
    %c0_i32_1 = arith.constant 0 : i32
    return %c0_i32, %arg0, %c0_i32_0 : i32, i32, i32
  }
  func.func @transform_1(%arg0: i32) -> (i32, i32, i32) {
    %c0_i32 = arith.constant 0 : i32
    %c0_i32_0 = arith.constant 0 : i32
    %c0_i32_1 = arith.constant 0 : i32
    return %c0_i32, %arg0, %c0_i32_0 : i32, i32, i32
  }
  func.func @transform_2(%arg0: i32) -> (i32, i32) {
    %c0_i32 = arith.constant 0 : i32
    %c0_i32_0 = arith.constant 0 : i32
    return %arg0, %c0_i32 : i32, i32
  }
  func.func @transform_3(%arg0: i32) -> (i32, i32) {
    %c0_i32 = arith.constant 0 : i32
    %c0_i32_0 = arith.constant 0 : i32
    %c0_i32_1 = arith.constant 0 : i32
    return %c0_i32, %c0_i32_0 : i32, i32
  }
  func.func @transform_4(%arg0: i32) -> (i32, i32) {
    %c0_i32 = arith.constant 0 : i32
    %c0_i32_0 = arith.constant 0 : i32
    %c0_i32_1 = arith.constant 0 : i32
    return %c0_i32, %c0_i32_0 : i32, i32
  }
  func.func @transform_5(%arg0: i32) -> (i32, i32) {
    %c0_i32 = arith.constant 0 : i32
    %c0_i32_0 = arith.constant 0 : i32
    return %arg0, %c0_i32 : i32, i32
  }
  func.func @transform_6(%arg0: i32) -> (i32, i32) {
    %c0_i32 = arith.constant 0 : i32
    %c0_i32_0 = arith.constant 0 : i32
    return %arg0, %c0_i32 : i32, i32
  }
}

module attributes {stable_mosaic.version = 14 : i64} {
  func.func @_k5_body(%arg0: i32, %arg1: memref<2x2000x128xbf16, #tpu.memory_space<vmem>>, %arg2: memref<2x2000x32xbf16, #tpu.memory_space<vmem>>, %arg3: memref<2000x128xbf16, #tpu.memory_space<vmem>>, %arg4: memref<2000x32xbf16, #tpu.memory_space<vmem>>, %arg5: memref<300x150xf32, #tpu.memory_space<vmem>>, %arg6: memref<300x150xf32, #tpu.memory_space<vmem>>, %arg7: memref<1x300xf32, #tpu.memory_space<vmem>>, %arg8: memref<2000x300xf32, #tpu.memory_space<vmem>>) attributes {dimension_semantics = [#tpu.dimension_semantics<arbitrary>], iteration_bounds = array<i64: 5>, scalar_prefetch = 0 : i64, scratch_operands = 0 : i64, tpu.core_type = #tpu.core_type<tc>, window_params = [{transform_indices = @transform_0, window_bounds = array<i64: 2, 2000, 128>}, {transform_indices = @transform_1, window_bounds = array<i64: 2, 2000, 32>}, {transform_indices = @transform_2, window_bounds = array<i64: 2000, 128>}, {transform_indices = @transform_3, window_bounds = array<i64: 2000, 32>}, {pipeline_mode = #tpu.pipeline_mode<synchronous>, transform_indices = @transform_4, window_bounds = array<i64: 300, 150>}, {pipeline_mode = #tpu.pipeline_mode<synchronous>, transform_indices = @transform_5, window_bounds = array<i64: 300, 150>}, {pipeline_mode = #tpu.pipeline_mode<synchronous>, transform_indices = @transform_6, window_bounds = array<i64: 1, 300>}, {transform_indices = @transform_7, window_bounds = array<i64: 2000, 300>}]} {
    %get3A = arith.constant 0 : index
    %get3A_0 = arith.constant 0 : index
    %get3A_1 = arith.constant 0 : index
    %get3A_2 = vector.load %arg1[%get3A, %get3A_0, %get3A_1] : memref<2x2000x128xbf16, #tpu.memory_space<vmem>>, vector<1x2000x128xbf16>
    %get3A_3 = vector.shape_cast %get3A_2 : vector<1x2000x128xbf16> to vector<2000x128xbf16>
    %convert_element_type3A = arith.extf %get3A_3 : vector<2000x128xbf16> to vector<2000x128xf32>
    %get3A_4 = arith.constant 1 : index
    %get3A_5 = arith.constant 0 : index
    %get3A_6 = arith.constant 0 : index
    %get3A_7 = vector.load %arg1[%get3A_4, %get3A_5, %get3A_6] : memref<2x2000x128xbf16, #tpu.memory_space<vmem>>, vector<1x2000x128xbf16>
    %get3A_8 = vector.shape_cast %get3A_7 : vector<1x2000x128xbf16> to vector<2000x128xbf16>
    %convert_element_type3A_9 = arith.extf %get3A_8 : vector<2000x128xbf16> to vector<2000x128xf32>
    %add3A = arith.addf %convert_element_type3A, %convert_element_type3A_9 : vector<2000x128xf32>
    %get3A_10 = arith.constant 0 : index
    %get3A_11 = arith.constant 0 : index
    %get3A_12 = arith.constant 0 : index
    %get3A_13 = vector.load %arg2[%get3A_10, %get3A_11, %get3A_12] : memref<2x2000x32xbf16, #tpu.memory_space<vmem>>, vector<1x2000x32xbf16>
    %get3A_14 = vector.shape_cast %get3A_13 : vector<1x2000x32xbf16> to vector<2000x32xbf16>
    %convert_element_type3A_15 = arith.extf %get3A_14 : vector<2000x32xbf16> to vector<2000x32xf32>
    %get3A_16 = arith.constant 1 : index
    %get3A_17 = arith.constant 0 : index
    %get3A_18 = arith.constant 0 : index
    %get3A_19 = vector.load %arg2[%get3A_16, %get3A_17, %get3A_18] : memref<2x2000x32xbf16, #tpu.memory_space<vmem>>, vector<1x2000x32xbf16>
    %get3A_20 = vector.shape_cast %get3A_19 : vector<1x2000x32xbf16> to vector<2000x32xbf16>
    %convert_element_type3A_21 = arith.extf %get3A_20 : vector<2000x32xbf16> to vector<2000x32xf32>
    %add3A_22 = arith.addf %convert_element_type3A_15, %convert_element_type3A_21 : vector<2000x32xf32>
    %slice3A = vector.extract_strided_slice %add3A_22 {offsets = [0, 22], sizes = [2000, 1], strides = [1, 1]} : vector<2000x32xf32> to vector<2000x1xf32>
    %max3A = arith.constant 1.000000e+00 : f32
    %max3A_23 = vector.broadcast %max3A : f32 to vector<2000x1xf32>
    %max3A_24 = arith.maximumf %slice3A, %max3A_23 : vector<2000x1xf32>
    %slice3A_25 = vector.extract_strided_slice %add3A_22 {offsets = [0, 0], sizes = [2000, 22], strides = [1, 1]} : vector<2000x32xf32> to vector<2000x22xf32>
    %concatenate3A = tpu.concatenate %add3A, %slice3A_25 in 1 : vector<2000x128xf32>, vector<2000x22xf32> -> vector<2000x150xf32>
    %div3A = vector.broadcast %max3A_24 : vector<2000x1xf32> to vector<2000x150xf32>
    %div3A_26 = arith.divf %concatenate3A, %div3A : vector<2000x150xf32>
    %get3A_27 = arith.constant 0 : index
    %get3A_28 = arith.constant 0 : index
    %get3A_29 = vector.load %arg3[%get3A_27, %get3A_28] : memref<2000x128xbf16, #tpu.memory_space<vmem>>, vector<2000x128xbf16>
    %convert_element_type3A_30 = arith.extf %get3A_29 : vector<2000x128xbf16> to vector<2000x128xf32>
    %get3A_31 = arith.constant 0 : index
    %get3A_32 = arith.constant 0 : index
    %get3A_33 = vector.load %arg4[%get3A_31, %get3A_32] : memref<2000x32xbf16, #tpu.memory_space<vmem>>, vector<2000x22xbf16>
    %convert_element_type3A_34 = arith.extf %get3A_33 : vector<2000x22xbf16> to vector<2000x22xf32>
    %concatenate3A_35 = tpu.concatenate %convert_element_type3A_30, %convert_element_type3A_34 in 1 : vector<2000x128xf32>, vector<2000x22xf32> -> vector<2000x150xf32>
    %get3A_36 = arith.constant 0 : index
    %get3A_37 = arith.constant 0 : index
    %get3A_38 = vector.load %arg5[%get3A_36, %get3A_37] : memref<300x150xf32, #tpu.memory_space<vmem>>, vector<300x150xf32>
    %dot_general3A = arith.constant dense<0.000000e+00> : vector<2000x300xf32>
    %dot_general3A_39 = tpu.matmul %div3A_26, %get3A_38, %dot_general3A {dimension_numbers = #tpu.dot_dimension_numbers<[1], [1], [0], [0], [0, 0, 1, 0], [], []>, transpose_lhs_hint = false} : vector<2000x150xf32>, vector<300x150xf32>, vector<2000x300xf32> -> vector<2000x300xf32>
    %get3A_40 = arith.constant 0 : index
    %get3A_41 = arith.constant 0 : index
    %get3A_42 = vector.load %arg6[%get3A_40, %get3A_41] : memref<300x150xf32, #tpu.memory_space<vmem>>, vector<300x150xf32>
    %dot_general3A_43 = arith.constant dense<0.000000e+00> : vector<2000x300xf32>
    %dot_general3A_44 = tpu.matmul %concatenate3A_35, %get3A_42, %dot_general3A_43 {dimension_numbers = #tpu.dot_dimension_numbers<[1], [1], [0], [0], [0, 0, 1, 0], [], []>, transpose_lhs_hint = false} : vector<2000x150xf32>, vector<300x150xf32>, vector<2000x300xf32> -> vector<2000x300xf32>
    %add3A_45 = arith.addf %dot_general3A_39, %dot_general3A_44 : vector<2000x300xf32>
    %get3A_46 = arith.constant 0 : index
    %get3A_47 = arith.constant 0 : index
    %get3A_48 = vector.load %arg7[%get3A_46, %get3A_47] : memref<1x300xf32, #tpu.memory_space<vmem>>, vector<1x300xf32>
    %add3A_49 = vector.broadcast %get3A_48 : vector<1x300xf32> to vector<2000x300xf32>
    %add3A_50 = arith.addf %add3A_45, %add3A_49 : vector<2000x300xf32>
    %swap3A = arith.constant 0 : index
    %swap3A_51 = arith.constant 0 : index
    %swap3A_52 = vector.load %arg8[%swap3A, %swap3A_51] : memref<2000x300xf32, #tpu.memory_space<vmem>>, vector<2000x300xf32>
    tpu.vector_store %arg8[%swap3A, %swap3A_51], %add3A_50 {strides = array<i32>} : memref<2000x300xf32, #tpu.memory_space<vmem>>, vector<2000x300xf32>,
    return
  }
  func.func @transform_0(%arg0: i32) -> (i32, i32, i32) {
    %c0_i32 = arith.constant 0 : i32
    %c0_i32_0 = arith.constant 0 : i32
    %c0_i32_1 = arith.constant 0 : i32
    return %c0_i32, %arg0, %c0_i32_0 : i32, i32, i32
  }
  func.func @transform_1(%arg0: i32) -> (i32, i32, i32) {
    %c0_i32 = arith.constant 0 : i32
    %c0_i32_0 = arith.constant 0 : i32
    %c0_i32_1 = arith.constant 0 : i32
    return %c0_i32, %arg0, %c0_i32_0 : i32, i32, i32
  }
  func.func @transform_2(%arg0: i32) -> (i32, i32) {
    %c0_i32 = arith.constant 0 : i32
    %c0_i32_0 = arith.constant 0 : i32
    return %arg0, %c0_i32 : i32, i32
  }
  func.func @transform_3(%arg0: i32) -> (i32, i32) {
    %c0_i32 = arith.constant 0 : i32
    %c0_i32_0 = arith.constant 0 : i32
    return %arg0, %c0_i32 : i32, i32
  }
  func.func @transform_4(%arg0: i32) -> (i32, i32) {
    %c0_i32 = arith.constant 0 : i32
    %c0_i32_0 = arith.constant 0 : i32
    %c0_i32_1 = arith.constant 0 : i32
    return %c0_i32, %c0_i32_0 : i32, i32
  }
  func.func @transform_5(%arg0: i32) -> (i32, i32) {
    %c0_i32 = arith.constant 0 : i32
    %c0_i32_0 = arith.constant 0 : i32
    %c0_i32_1 = arith.constant 0 : i32
    return %c0_i32, %c0_i32_0 : i32, i32
  }
  func.func @transform_6(%arg0: i32) -> (i32, i32) {
    %c0_i32 = arith.constant 0 : i32
    %c0_i32_0 = arith.constant 0 : i32
    %c0_i32_1 = arith.constant 0 : i32
    return %c0_i32, %c0_i32_0 : i32, i32
  }
  func.func @transform_7(%arg0: i32) -> (i32, i32) {
    %c0_i32 = arith.constant 0 : i32
    %c0_i32_0 = arith.constant 0 : i32
    return %arg0, %c0_i32 : i32, i32
  }
}

</mosaic_0001>

<sc_bundles>
// kernel: kernel.12.cloned.1.call-start
scs
__scs_entry_jumppad:
0x0: {  	(pc) =	sbr.rel $0x88, $3  }
0x1: {  	(tag) =	ssettag $0x0;
	lr =	simm.s32 $0x1  }
0x2: {  	[smem:$0x3F99] =	sst lr;
	_ =	strace $0xD0000000  }
0x3: {  	_ = 	snop  }
0x4: {  	_ = 	snop  }
0x5: {  	_ = 	snop  }
0x6: {  	_ = 	snop  }
0x7: {  	_ = 	snop  }
__scs_overlays_trampoline_lowered:
0x8: {  	[smem:$0x3FA8] =	sst s0  }
0x9: {  	[smem:$0x3FA9] =	sst s1  }
0xa: {  	[smem:$0x3FAA] =	sst s2  }
0xb: {  	[smem:$0x3FAB] =	sst s3  }
0xc: {  	[smem:$0x3FAC] =	sst s4  }
0xd: {  	[smem:$0x3FAD] =	sst s5  }
0xe: {  	[smem:$0x3FAE] =	sst s6  }
0xf: {  	[smem:$0x3FAF] =	sst s7  }
0x10: {  	[smem:$0x3FB0] =	sst s8  }
0x11: {  	[smem:$0x3FB1] =	sst s9;
	s0 =	simm.s32 @!p0 $0x0  }
0x12: {  	s1 =	sld [smem:$0x3F97];
	s0 =	simm.s32 @p0 $0x1  }
0x13: {  	[smem:$0x3FB2] =	sst s0;
	s0 =	simm.s32 @!p1 $0x0  }
0x14: {  	s2 =	sld [smem:$0x3F96];
	s0 =	simm.s32 @p1 $0x1  }
0x15: {  	[smem:$0x3FB3] =	sst s0;
	s0 =	simm.s32 @!p2 $0x0  }
0x16: {  	s3 =	sld [smem:$0x3FDB];
	s0 =	simm.s32 @p2 $0x1  }
0x17: {  	s4 =	simm.s32 $0x1BF5;
	[smem:$0x3FB5] =	sst s0  }
0x18: {  	s0 =	sld [smem:$0x3F98];
	_ =	swait.ge [sflag:s4], $0x0  }
0x19: {  	s7 =	sld [smem:$0x3F99]  }
0x1a: {  	s8 =	sadd.s32 $0xFFFFE003, lr  }
0x1b: {  	s9 =	sadd.s32 $0xFFFFFEF7, lr;
	s5 =	simm.s32 $0xFFFFFFFF;
	p2 =	slt.u32 s8, $0xFFFFF086  }
0x1c: {  	p1 =	slt.u32 s9, $0xF7A;
	s5 =	simm.s32 @!p2 $0x0  }
0x1d: {  	s5 =	simm.s32 @p1 $0x1;
	p0 =	seq.s32 s7, s2  }
0x1e: {  	s7 =	smul.u32 @!p0 $0xF7A, s2;
	p2 =	seq.s32 @!p0 s5, $0x0  }
0x1f: {  	s9 =	smul.u32 $0xF7A, s1;
	s8 =	simm.s32 @!p0 $0x1BF5;
	p2 =	por !p2, p0  }
0x20: {  	[sflag:s8] =	ssyncset.s32 @!p0 $0xFFFFF086;
	s6 =	sadd.s32 @!p0 s3, s7;
	s7 =	simm.s32 @!p0 $0x108  }
0x21: {  	s3 =	sadd.s32 s3, s9;
	s6 =	sadd.s32 @!p0 $0x88, s6;
	s7 =	simm.s32 @p2 $0x1082  }
0x22: {  	[simem:s7], [sflag:s8] =	dma.local @!p0 [hbm:s6], $0xF7A  }
0x23: {  	s9 =	sor.u32 $0xD0000000, s2;
	s6 =	simm.s32 $0x108;
	_ =	swait.ge @!p0 [sflag:s8], $0x0  }
0x24: {  	s3 =	sadd.s32 $0x88, s3;
	s6 =	simm.s32 @!p1 $0x1082;
	[sflag:s4] =	ssyncset.s32 $0xFFFFF086  }
0x25: {  	[simem:s6], [sflag:s4] =	dma.local [hbm:s3], $0xF7A  }
0x26: {  	[smem:$0x3F99] =	sst s1;
	(tag) =	ssettag s2;
	_ =	strace s9  }
0x27: {  	s1 =	sld [smem:$0x3FA9]  }
0x28: {  	s2 =	sld [smem:$0x3FAA]  }
0x29: {  	s4 =	sld [smem:$0x3FAC]  }
0x2a: {  	p0 =	seq.s32 s5, $0x0;
	s5 =	sld [smem:$0x3FAD]  }
0x2b: {  	s6 =	sld [smem:$0x3FAE]  }
0x2c: {  	s7 =	sld [smem:$0x3FAF]  }
0x2d: {  	s3 =	simm.s32 $0x108;
	s8 =	sld [smem:$0x3FB0]  }
0x2e: {  	s3 =	simm.s32 @!p0 $0x1082;
	s9 =	sld [smem:$0x3FB1]  }
0x2f: {  	lr =	sadd.s32 s0, s3;
	s0 =	sld [smem:$0x3FA8]  }
0x30: {  	s3 =	sld [smem:$0x3FAB]  }
0x31: {  	[smem:$0x3FB4] =	sst s10  }
0x32: {  	s10 =	sld [smem:$0x3FB2];
	_ =	sdelay $0x3  }
0x33: {  	p0 =	seq.s32 s10, $0x1;
	s10 =	sld [smem:$0x3FB4];
	_ =	sdelay $0x3  }
0x34: {  	[smem:$0x3FB4] =	sst s10  }
0x35: {  	s10 =	sld [smem:$0x3FB3];
	_ =	sdelay $0x3  }
0x36: {  	p1 =	seq.s32 s10, $0x1;
	s10 =	sld [smem:$0x3FB4];
	_ =	sdelay $0x3  }
0x37: {  	[smem:$0x3FB4] =	sst s10  }
0x38: {  	s10 =	sld [smem:$0x3FB5]  }
0x39: {  	_ = 	snop;
	(pc) =	sbr.ind lr, $3  }
0x3a: {  	_ = 	snop  }
0x3b: {  	_ = 	snop  }
0x3c: {  	p2 =	seq.s32 s10, $0x1;
	s10 =	sld [smem:$0x3FB4]  }
0x3d: {  	_ =	shalt  }
0x3e: {  	_ =	shalt  }
0x3f: {  	_ =	shalt  }
0x40: {  	_ =	shalt  }
0x41: {  	_ =	shalt  }
0x42: {  	_ =	shalt  }
0x43: {  	_ =	shalt  }
0x44: {  	_ =	shalt  }
0x45: {  	_ =	shalt  }
0x46: {  	_ =	shalt  }
0x47: {  	_ =	shalt  }
0x48: {  	_ =	shalt  }
0x49: {  	_ =	shalt  }
0x4a: {  	_ =	shalt  }
0x4b: {  	_ =	shalt  }
0x4c: {  	_ =	shalt  }
0x4d: {  	_ =	shalt  }
0x4e: {  	_ =	shalt  }
0x4f: {  	_ =	shalt  }
0x50: {  	_ =	shalt  }
0x51: {  	_ =	shalt  }
0x52: {  	_ =	shalt  }
0x53: {  	_ =	shalt  }
0x54: {  	_ =	shalt  }
0x55: {  	_ =	shalt  }
0x56: {  	_ =	shalt  }
0x57: {  	_ =	shalt  }
0x58: {  	_ =	shalt  }
0x59: {  	_ =	shalt  }
0x5a: {  	_ =	shalt  }
0x5b: {  	_ =	shalt  }
0x5c: {  	_ =	shalt  }
0x5d: {  	_ =	shalt  }
0x5e: {  	_ =	shalt  }
0x5f: {  	_ =	shalt  }
0x60: {  	_ =	shalt  }
0x61: {  	_ =	shalt  }
0x62: {  	_ =	shalt  }
0x63: {  	_ =	shalt  }
0x64: {  	_ =	shalt  }
0x65: {  	_ =	shalt  }
0x66: {  	_ =	shalt  }
0x67: {  	_ =	shalt  }
0x68: {  	_ =	shalt  }
0x69: {  	_ =	shalt  }
0x6a: {  	_ =	shalt  }
0x6b: {  	_ =	shalt  }
0x6c: {  	_ =	shalt  }
0x6d: {  	_ =	shalt  }
0x6e: {  	_ =	shalt  }
0x6f: {  	_ =	shalt  }
0x70: {  	_ =	shalt  }
0x71: {  	_ =	shalt  }
0x72: {  	_ =	shalt  }
0x73: {  	_ =	shalt  }
0x74: {  	_ =	shalt  }
0x75: {  	_ =	shalt  }
0x76: {  	_ =	shalt  }
0x77: {  	_ =	shalt  }
0x78: {  	_ =	shalt  }
0x79: {  	_ =	shalt  }
0x7a: {  	_ =	shalt  }
0x7b: {  	_ =	shalt  }
0x7c: {  	_ =	shalt  }
0x7d: {  	_ =	shalt  }
0x7e: {  	_ =	shalt  }
0x7f: {  	_ =	shalt  }
0x80: {  	_ =	shalt  }
0x81: {  	_ =	shalt  }
0x82: {  	_ =	shalt  }
0x83: {  	_ =	shalt  }
0x84: {  	_ =	shalt  }
0x85: {  	_ =	shalt  }
0x86: {  	_ =	shalt  }
0x87: {  	_ =	shalt  }
.Lfunc_end0:
.L_simem_size_0:
called_computation.1_lowered:
.L_overlay_start_0:
0x88: {  	s2 =	sld [smem:$0x3FD9]  }
0x89: {  	s3 =	sld [smem:$0x3FFE];
	_ =	sdelay $0x1  }
0x8a: {  	s1 =	srdreg.scid  }
0x8b: {  	s0 =	sand.u32 $0x1, s1  }
0x8c: {  	s17 =	sshll.u32 s0, $0xA;
	s2 =	sadd.s32 s3, s2  }
0x8d: {  	s2 =	sadd.s32 s2, s17  }
0x8e: {  	[smem:$0x3FC0] =	sst s2  }
0x8f: {  	_ = 	snop  }
0x90: {  	(tm) =	ssettm $0x1  }
0x91: {  	s18 =	sld [smem:$0x3FFB];
	_ =	sdelay $0x3  }
0x92: {  	_ =	strace s18  }
0x93: {  	s2 =	sld [smem:$0x3FFC];
	_ =	sdelay $0x3  }
0x94: {  	_ =	strace s2  }
0x95: {  	s2 =	sld [smem:$0x3FFD];
	_ =	sdelay $0x3  }
0x96: {  	_ =	strace s2  }
0x97: {  	_ =	strace $0x8FFFFFFF  }
0x98: {  	s19 =	sld [smem:$0x3FDB];
	_ =	sdelay $0x1  }
0x99: {  	s20 =	simm.s32 $_scs_section_size  }
0x9a: {  	s4 =	simm.s32 $_size__tile_overlayer_lowered;
	s5 =	simm.s32 $_tile_overlayer_lowered  }
0x9b: {  	s6 =	simm.s32 $0x1BFF;
	s21 =	sshll.u32 s5, $0x1;
	s3 =	sadd.s32 s20, s19  }
0x9c: {  	s22 =	simm.s32 $0x0;
	s4 =	sshll.u32 s4, $0x1;
	s5 =	sadd.s32 s21, s3  }
0x9d: {  	[timem:s22], [sflag:s6] =	dma.local [hbm:s5], s4  }
0x9e: {  	_ =	swait.ge [sflag:s6], s4  }
0x9f: {  	s4 =	ssub.s32 $0x0, s4;
	[sflag:s6] =	ssyncset.done $0x0  }
0xa0: {  	[sflag:s6] =	ssyncadd.s32 s4;
	_ =	sdelay $0x1  }
0xa1: {  	s23 =	simm.s32 $0x1B8B  }
0xa2: {  	_ =	swait.ge [sflag:s23], $0x1  }
0xa3: {  	[sflag:s23] =	ssyncset.done $0x0  }
0xa4: {  	[sflag:s23] =	ssyncadd.s32 $0xFFFFFFFF  }
0xa5: {  	s4 =	sld [smem:$0x0]  }
0xa6: {  	s5 =	sand.u32 $0xFFFFFFFE, s1  }
0xa7: {  	p0 =	sne.s32 s1, s5  }
0xa8: {  	s5 =	sshll.u32 @p0 s5, $0xE  }
0xa9: {  	s5 =	sadd.s32 @p0 $0x11B8D, s5;
	s6 =	sshll.u32 @p0 s4, $0x11  }
0xaa: {  	s5 =	sor.u32 @p0 s6, s5  }
0xab: {  	[sflag:s5] =	ssyncadd.remote.s32 @p0 $0x1;
	_ =	sdelay $0x1  }
0xac: {  	s5 =	simm.s32 @p0 $0x1B8D  }
0xad: {  	_ =	swait.eq @p0 [sflag:s5], $0x1  }
0xae: {  	[sflag:s5] =	ssyncadd.s32 @p0 $0xFFFFFFFF  }
0xaf: {  	s6 =	sshll.u32 @!p0 s1, $0xE  }
0xb0: {  	s6 =	sor.u32 @!p0 $0x4000, s6;
	s5 =	simm.s32 @!p0 $0x1B8D  }
0xb1: {  	s4 =	sshll.u32 @!p0 s4, $0x11;
	s6 =	sadd.s32 @!p0 $0x11B8D, s6;
	_ =	swait.eq @!p0 [sflag:s5], $0x1  }
0xb2: {  	s4 =	sor.u32 @!p0 s4, s6;
	[sflag:s5] =	ssyncadd.s32 @!p0 $0xFFFFFFFF  }
0xb3: {  	s25 =	simm.s32 $0x1B8E;
	s24 =	sld [smem:$0x3FFE];
	[sflag:s4] =	ssyncadd.remote.s32 @!p0 $0x1  }
0xb4: {  	s26 =	simm.s32 $execute0_lowered;
	[smem:$0x3FD2] =	sst s25  }
0xb5: {  	s5 =	sshll.u32 s26, $0x1;
	_ =	strace $0x80000049;
	[dreg:$0x1] =	wrdreg $0xFFFFFFFF  }
0xb6: {  	s28 =	simm.s32 $_size_execute0_lowered;
	s3 =	sadd.s32 s3, s5;
	[dreg:$0x0] =	wrdreg $0x0  }
0xb7: {  	s5 =	sshll.u32 s28, $0x1;
	[dreg:$0x2] =	wrdreg s3  }
0xb8: {  	[dreg:$0x3] =	wrdreg s5  }
0xb9: {  	[dreg:$0x4] =	wrdreg $0xC0  }
0xba: {  	_ =	task [dreg:s22], $0x5FFFF  }
0xbb: {  	[dreg:$0x1] =	wrdreg $0xFFFFFFFF  }
0xbc: {  	[dreg:$0x0] =	wrdreg $0x60  }
0xbd: {  	[dreg:$0x2] =	wrdreg s24  }
0xbe: {  	[dreg:$0x3] =	wrdreg $0x37A00  }
0xbf: {  	[dreg:$0x4] =	wrdreg $0xA  }
0xc0: {  	_ =	task.clear_ibuf [dreg:s22], $0x5FFFF;
	_ =	strace $0x90000049  }
0xc1: {  	s29 =	simm.s32 $0xA;
	_ =	strace $0x8000004B  }
0xc2: {  	_ =	swait.ge [sflag:s29], $0x1  }
0xc3: {  	[sflag:s29] =	ssyncadd.s32 $0xFFFFFFFF  }
0xc4: {  	_ =	strace $0x9000004B  }
0xc5: {  	_ =	sfence  }
0xc6: {  	s30 =	sld [smem:$0x0];
	_ =	sdelay $0x2  }
0xc7: {  	s31 =	sshll.u32 s1, $0xD;
	s1 =	sshrl.u32 s1, $0x2  }
0xc8: {  	s4 =	sand.u32 $0x4000, s31;
	s1 =	sadd.s32 s1, s30  }
0xc9: {  	s0 =	sor.u32 s4, s0;
	s1 =	sshll.u32 s1, $0x11  }
0xca: {  	s0 =	sor.u32 s1, s0  }
0xcb: {  	s0 =	sadd.s32 $0x8F2B, s0  }
0xcc: {  	[sflag:s0] =	ssyncadd.remote.s32 $0x1  }
0xcd: {  	_ =	sfence.sel $0xFFFF  }
0xce: {  	[dreg:$0x0] =	wrdreg $0xFFFFFFFF;
	(pc) =	sbr.abs _section_cstart, $3  }
0xcf: {  	[dreg:$0x1] =	wrdreg $0xFFFFFFFF  }
0xd0: {  	_ =	task.clear_ibuf [dreg:s22], $0x2FFFF;
	_ =	strace $0x9FFFFFFF  }
0xd1: {  	(tm) =	ssettm $0x7FFFFFFF  }
tec
execute0_lowered:
.L_overlay_start_1:
0x0: {  	(tag) =	ssettag $0x1  }
0x1: {  	s6 =	rddreg [dreg:$0x0]  }
0x2: {  	s0 =	srdreg.scid;
	s2 =	rddreg [dreg:$0x1]  }
0x3: {  	s3 =	simm.s32 $0x0;
	s13 =	simm.s32 $0x1400;
	s14 =	simm.s32 $0x7D  }
0x4: {  	s15 =	simm.s32 $0x2800;
	s16 =	simm.s32 $0x2FD0;
	s17 =	simm.s32 $0x1  }
0x5: {  	s18 =	simm.s32 $0x2;
	s19 =	simm.s32 $0x1380;
	s20 =	simm.s32 $0x2700  }
0x6: {  	s21 =	simm.s32 $0x2780;
	s5 =	sand.u32 $0x1, s0;
	s0 =	stileid.u32  }
0x7: {  	s22 =	simm.s32 $0x0;
	[smem:$0x7FF] =	sst s3;
	s8 =	smul.u32 $0x5000, s0  }
0x8: {  	s4 =	sadd.s32 $0xA8800, s6;
	s1 =	sshll.u32 s5, $0x4;
	s9 =	smul.u32 $0x50000, s5  }
0x9: {  	s5 =	ssub.s32 $0x2, s5;
	s31 =	sshll.u32 s0, $0x6;
	s1 =	sor.u32 s0, s1  }
0xa: {  	s30 =	sshrl.u32 s5, $0x1;
	s7 =	smul.u32 $0x280, s1;
	s1 =	rddreg [dreg:$0x2]  }
0xb: {  	_ =	strace $0x8000004A;
	s29 =	sshrl.u32 s8, $0x4;
	s9 =	sadd.s32 s8, s9  }
0xc: {  	s8 =	sshrl.u32 s8, $0x1;
	s11 =	ssub.s32 s5, s30;
	s9 =	sshrl.u32 s9, $0x4  }
0xd: {  	s12 =	sadd.s32 s8, s2;
	s10 =	sadd.s32 s7, s6;
	s7 =	sadd.s32 s29, s6  }
0xe: {  	s9 =	sadd.s32 s9, s6;
	s6 =	sor.u32 $0x1C03, s31;
	s5 =	sadd.s32 $0xAD800, s7  }
0xf: {  	s7 =	sadd.s32 $0x6A00, s10;
	s8 =	sadd.s32 $0x1A00, s10;
	s9 =	sadd.s32 $0xB2800, s9  }
0x10: {  	s10 =	smax.u32 s11, $0x1;
	s11 =	sshrl.u32 s12, $0x3;
	s12 =	simm.s32 $0x3  }
.LBB2_1:
0x11: {  	[spmem:s11], [sflag:s6] =	dma.local [hbm:s5], $0x500  }
0x12: {  	_ =	swait.ge [sflag:s12], $0x500  }
0x13: {  	[sflag:s12] =	ssyncset.done $0x0  }
0x14: {  	[sflag:s12] =	ssyncadd.s32 $0xFFFFFB00  }
0x15: {  	[tilespmem:s3], [sflag:$0x3] =	stream.linear.gather [hbm4b:s7+s3], $0x1400, $0x38;
	[tilespmem:$0x5FA0] =	vst v63  }
0x16: {  	_ =	swait.ge [sflag:s12], $0x1400  }
0x17: {  	[sflag:s12] =	ssyncset.done $0x0  }
0x18: {  	[sflag:s12] =	ssyncadd.s32 $0xFFFFEC00  }
0x19: {  	[tilespmem:s13], [sflag:$0x3] =	stream.linear.gather [hbm4b:s8+s3], $0x1400, $0x38;
	[tilespmem:$0x5FA0] =	vst v63  }
0x1a: {  	_ =	swait.ge [sflag:s12], $0x1400  }
0x1b: {  	[sflag:s12] =	ssyncset.done $0x0  }
0x1c: {  	[sflag:s12] =	ssyncadd.s32 $0xFFFFEC00  }
0x1d: {  	[bflag:$0x0] =	sbarrier.arrive $0xFFFF  }
0x1e: {  	[tilespmem:s15], [sflag:$0x1] =	stream.indirect.gather [hbm4b:s4+s14], $0x10, s3, s14, $0xb8;
	[tilespmem:$0x5FA0] =	vst v63  }
0x1f: {  	s23 =	simm.s32 $0x80  }
0x20: {  	[tilespmem:s16], [sflag:$0x2] =	stream.indirect.gather [hbm4b:s4+s14], $0x10, s23, s14, $0xb8;
	[tilespmem:$0x5FA0] =	vst v63  }
0x21: {  	_ =	swait.ge [sflag:s17], $0x7D0  }
0x22: {  	[sflag:s17] =	ssyncset.done $0x0  }
0x23: {  	s29 =	simm.s32 $0x1400;
	[sflag:s17] =	ssyncadd.s32 $0xFFFFF830  }
0x24: {  	[spmem:s2] =	stream.indirect.scatter.add.bf16 [tilespmem:s15], [sflag:$0x3], $0x10, s29, s14, $0xb8;
	[tilespmem:$0x5FA0] =	vst v63  }
0x25: {  	_ =	swait.ge [sflag:s12], $0x7D0  }
0x26: {  	[sflag:s12] =	ssyncset.done $0x0  }
0x27: {  	s30 =	simm.s32 $0x100;
	[sflag:s12] =	ssyncadd.s32 $0xFFFFF830  }
0x28: {  	[tilespmem:s15], [sflag:$0x1] =	stream.indirect.gather [hbm4b:s4+s14], $0x10, s30, s14, $0xb8;
	[tilespmem:$0x5FA0] =	vst v63  }
0x29: {  	_ =	swait.ge [sflag:s18], $0x7D0  }
0x2a: {  	[sflag:s18] =	ssyncset.done $0x0  }
0x2b: {  	s31 =	simm.s32 $0x1480;
	[sflag:s18] =	ssyncadd.s32 $0xFFFFF830  }
0x2c: {  	[spmem:s2] =	stream.indirect.scatter.add.bf16 [tilespmem:s16], [sflag:$0x3], $0x10, s31, s14, $0xb8;
	[tilespmem:$0x5FA0] =	vst v63  }
0x2d: {  	_ =	swait.ge [sflag:s12], $0x7D0  }
0x2e: {  	s24 =	simm.s32 $0x800;
	s23 =	simm.s32 $0x100;
	[sflag:s12] =	ssyncset.done $0x0  }
.LBB2_2:
0x2f: {  	s25 =	sadd.s32 $0x80, s23  }
0x30: {  	[sflag:s12] =	ssyncadd.s32 $0xFFFFF830;
	s26 =	smov.u32 s24;
	s28 =	sadd.s32 $0x400, s24  }
0x31: {  	[tilespmem:s16], [sflag:$0x2] =	stream.indirect.gather [hbm4b:s4+s14], $0x10, s25, s14, $0xb8;
	[tilespmem:$0x5FA0] =	vst v63  }
0x32: {  	p0 =	sne.s32 s24, $0x4800;
	_ =	swait.ge [sflag:s17], $0x7D0  }
0x33: {  	[sflag:s17] =	ssyncset.done $0x0  }
0x34: {  	s24 =	sadd.s32 $0x1400, s23;
	[sflag:s17] =	ssyncadd.s32 $0xFFFFF830  }
0x35: {  	[spmem:s2] =	stream.indirect.scatter.add.bf16 [tilespmem:s15], [sflag:$0x3], $0x10, s24, s14, $0xb8;
	[tilespmem:$0x5FA0] =	vst v63  }
0x36: {  	_ =	swait.ge [sflag:s12], $0x7D0  }
0x37: {  	[sflag:s12] =	ssyncset.done $0x0  }
0x38: {  	s24 =	sadd.s32 $0x100, s23;
	[sflag:s12] =	ssyncadd.s32 $0xFFFFF830  }
0x39: {  	[tilespmem:s15], [sflag:$0x1] =	stream.indirect.gather [hbm4b:s4+s14], $0x10, s24, s14, $0xb8;
	[tilespmem:$0x5FA0] =	vst v63  }
0x3a: {  	_ =	swait.ge [sflag:s18], $0x7D0  }
.Ltmp0:
0x3b: {  	[sflag:s18] =	ssyncset.done $0x0;
	(pc) =	sbr.rel @p0 .LBB2_2-.Ltmp0, $4  }
0x3c: {  	s23 =	sadd.s32 $0x1480, s23;
	[sflag:s18] =	ssyncadd.s32 $0xFFFFF830  }
0x3d: {  	[spmem:s2] =	stream.indirect.scatter.add.bf16 [tilespmem:s16], [sflag:$0x3], $0x10, s23, s14, $0xb8;
	[tilespmem:$0x5FA0] =	vst v63  }
0x3e: {  	_ =	swait.ge [sflag:s12], $0x7D0  }
0x3f: {  	s24 =	smov.u32 s28;
	s23 =	sshra.s32 s26, $0x2;
	[sflag:s12] =	ssyncset.done $0x0  }
0x40: {  	s24 =	sadd.s32 $0x80, s23;
	[sflag:s12] =	ssyncadd.s32 $0xFFFFF830  }
0x41: {  	[tilespmem:s16], [sflag:$0x2] =	stream.indirect.gather [hbm4b:s4+s14], $0x10, s24, s14, $0xb8;
	[tilespmem:$0x5FA0] =	vst v63  }
0x42: {  	_ =	swait.ge [sflag:s17], $0x7D0  }
0x43: {  	[sflag:s17] =	ssyncset.done $0x0  }
0x44: {  	s29 =	sadd.s32 $0x1400, s23;
	[sflag:s17] =	ssyncadd.s32 $0xFFFFF830  }
0x45: {  	[spmem:s2] =	stream.indirect.scatter.add.bf16 [tilespmem:s15], [sflag:$0x3], $0x10, s29, s14, $0xb8;
	[tilespmem:$0x5FA0] =	vst v63  }
0x46: {  	_ =	swait.ge [sflag:s12], $0x7D0  }
0x47: {  	[sflag:s12] =	ssyncset.done $0x0  }
0x48: {  	s30 =	sadd.s32 $0x100, s23;
	[sflag:s12] =	ssyncadd.s32 $0xFFFFF830  }
0x49: {  	[tilespmem:s15], [sflag:$0x1] =	stream.indirect.gather [hbm4b:s4+s14], $0x10, s30, s14, $0xb8;
	[tilespmem:$0x5FA0] =	vst v63  }
0x4a: {  	_ =	swait.ge [sflag:s18], $0x7D0  }
0x4b: {  	[sflag:s18] =	ssyncset.done $0x0  }
0x4c: {  	s31 =	sadd.s32 $0x1480, s23;
	[sflag:s18] =	ssyncadd.s32 $0xFFFFF830  }
0x4d: {  	[spmem:s2] =	stream.indirect.scatter.add.bf16 [tilespmem:s16], [sflag:$0x3], $0x10, s31, s14, $0xb8;
	[tilespmem:$0x5FA0] =	vst v63  }
0x4e: {  	_ =	swait.ge [sflag:s12], $0x7D0  }
0x4f: {  	[sflag:s12] =	ssyncset.done $0x0  }
0x50: {  	[sflag:s12] =	ssyncadd.s32 $0xFFFFF830  }
0x51: {  	[tilespmem:s16], [sflag:$0x2] =	stream.indirect.gather [hbm4b:s4+s14], $0x10, s19, s14, $0xb8;
	[tilespmem:$0x5FA0] =	vst v63  }
0x52: {  	_ =	swait.ge [sflag:s17], $0x7D0  }
0x53: {  	[sflag:s17] =	ssyncset.done $0x0  }
0x54: {  	[sflag:s17] =	ssyncadd.s32 $0xFFFFF830  }
0x55: {  	[spmem:s2] =	stream.indirect.scatter.add.bf16 [tilespmem:s15], [sflag:$0x3], $0x10, s20, s14, $0xb8;
	[tilespmem:$0x5FA0] =	vst v63  }
0x56: {  	_ =	swait.ge [sflag:s12], $0x7D0  }
0x57: {  	[sflag:s12] =	ssyncset.done $0x0  }
0x58: {  	[sflag:s12] =	ssyncadd.s32 $0xFFFFF830  }
0x59: {  	_ =	swait.ge [sflag:s18], $0x7D0  }
0x5a: {  	[sflag:s18] =	ssyncset.done $0x0  }
0x5b: {  	[sflag:s18] =	ssyncadd.s32 $0xFFFFF830  }
0x5c: {  	[spmem:s2] =	stream.indirect.scatter.add.bf16 [tilespmem:s16], [sflag:$0x3], $0x10, s21, s14, $0xb8;
	[tilespmem:$0x5FA0] =	vst v63  }
0x5d: {  	_ =	swait.ge [sflag:s12], $0x7D0  }
0x5e: {  	s22 =	sadd.s32 $0x1, s22;
	[sflag:s12] =	ssyncset.done $0x0  }
0x5f: {  	p0 =	sne.s32 s22, s10;
	[sflag:s12] =	ssyncadd.s32 $0xFFFFF830  }
.Ltmp1:
0x60: {  	[bflag:$0x0] =	sbarrier.arrive $0xFFFF;
	(pc) =	sbr.rel @p0 .LBB2_1-.Ltmp1, $4  }
0x61: {  	[hbm:s9], [sflag:s6] =	dma.local [spmem:s11], $0x500  }
0x62: {  	_ =	swait.ge [sflag:s12], $0x500  }
0x63: {  	[sflag:s12] =	ssyncset.done $0x0  }
0x64: {  	[sflag:s12] =	ssyncadd.s32 $0xFFFFFB00  }
0x65: {  	_ =	sfence.sel $0x180000  }
0x66: {  	[bflag:$0x0] =	sbarrier.arrive $0xFFFF  }
0x67: {  	p0 =	sne.s32 s0, $0x0;
	_ =	strace $0x9000004A  }
0x68: {  	s0 =	sadd.s32 @!p0 $0x100000, s1;
	[bflag:$0x2] =	sbarrier.arrive $0xFFFF  }
0x69: {  	[sflag:s0] =	ssyncadd.tile.s32 @!p0 $0x1;
	_ =	shalt  }
.Lfunc_end2:
_tile_overlayer_lowered:
.L_overlay_start_2:
0x6a: {  	(tag) =	ssettag $0x2  }
0x6b: {  	s0 =	rddreg [dreg:$0x0];
	s2 =	stileid.u32  }
0x6c: {  	s1 =	rddreg [dreg:$0x1];
	p0 =	sne.s32 s2, $0x0  }
0x6d: {  	s3 =	rddreg [dreg:$0x2];
	[bflag:$0x3] =	sbarrier.arrive $0xFFFF;
	s2 =	simm.s32 @!p0 $0x1C03  }
0x6e: {  	[timem:s3], [sflag:s2] =	dma.local @!p0 [hbm:s0], s1  }
0x6f: {  	s0 =	simm.s32 @!p0 $0x3  }
0x70: {  	_ =	swait.ge @!p0 [sflag:s0], s1  }
0x71: {  	s1 =	ssub.s32 @!p0 $0x0, s1;
	[sflag:s0] =	ssyncset.done @!p0 $0x0  }
0x72: {  	[sflag:s0] =	ssyncadd.s32 @!p0 s1  }
0x73: {  	[bflag:$0x3] =	sbarrier.arrive $0xFFFF  }
0x74: {  	_ =	shalt  }

// kernel: kernel.15.cloned.1.call-start
scs
__scs_entry_jumppad:
0x0: {  	(pc) =	sbr.rel $0x88, $3  }
0x1: {  	(tag) =	ssettag $0x0;
	lr =	simm.s32 $0x1  }
0x2: {  	[smem:$0x3F99] =	sst lr;
	_ =	strace $0xD0000000  }
0x3: {  	_ = 	snop  }
0x4: {  	_ = 	snop  }
0x5: {  	_ = 	snop  }
0x6: {  	_ = 	snop  }
0x7: {  	_ = 	snop  }
__scs_overlays_trampoline_lowered:
0x8: {  	[smem:$0x3FA8] =	sst s0  }
0x9: {  	[smem:$0x3FA9] =	sst s1  }
0xa: {  	[smem:$0x3FAA] =	sst s2  }
0xb: {  	[smem:$0x3FAB] =	sst s3  }
0xc: {  	[smem:$0x3FAC] =	sst s4  }
0xd: {  	[smem:$0x3FAD] =	sst s5  }
0xe: {  	[smem:$0x3FAE] =	sst s6  }
0xf: {  	[smem:$0x3FAF] =	sst s7  }
0x10: {  	[smem:$0x3FB0] =	sst s8  }
0x11: {  	[smem:$0x3FB1] =	sst s9;
	s0 =	simm.s32 @!p0 $0x0  }
0x12: {  	s1 =	sld [smem:$0x3F97];
	s0 =	simm.s32 @p0 $0x1  }
0x13: {  	[smem:$0x3FB2] =	sst s0;
	s0 =	simm.s32 @!p1 $0x0  }
0x14: {  	s2 =	sld [smem:$0x3F96];
	s0 =	simm.s32 @p1 $0x1  }
0x15: {  	[smem:$0x3FB3] =	sst s0;
	s0 =	simm.s32 @!p2 $0x0  }
0x16: {  	s3 =	sld [smem:$0x3FDB];
	s0 =	simm.s32 @p2 $0x1  }
0x17: {  	s4 =	simm.s32 $0x1BF5;
	[smem:$0x3FB5] =	sst s0  }
0x18: {  	s0 =	sld [smem:$0x3F98];
	_ =	swait.ge [sflag:s4], $0x0  }
0x19: {  	s7 =	sld [smem:$0x3F99]  }
0x1a: {  	s8 =	sadd.s32 $0xFFFFE003, lr  }
0x1b: {  	s9 =	sadd.s32 $0xFFFFFEF7, lr;
	s5 =	simm.s32 $0xFFFFFFFF;
	p2 =	slt.u32 s8, $0xFFFFF086  }
0x1c: {  	p1 =	slt.u32 s9, $0xF7A;
	s5 =	simm.s32 @!p2 $0x0  }
0x1d: {  	s5 =	simm.s32 @p1 $0x1;
	p0 =	seq.s32 s7, s2  }
0x1e: {  	s7 =	smul.u32 @!p0 $0xF7A, s2;
	p2 =	seq.s32 @!p0 s5, $0x0  }
0x1f: {  	s9 =	smul.u32 $0xF7A, s1;
	s8 =	simm.s32 @!p0 $0x1BF5;
	p2 =	por !p2, p0  }
0x20: {  	[sflag:s8] =	ssyncset.s32 @!p0 $0xFFFFF086;
	s6 =	sadd.s32 @!p0 s3, s7;
	s7 =	simm.s32 @!p0 $0x108  }
0x21: {  	s3 =	sadd.s32 s3, s9;
	s6 =	sadd.s32 @!p0 $0x88, s6;
	s7 =	simm.s32 @p2 $0x1082  }
0x22: {  	[simem:s7], [sflag:s8] =	dma.local @!p0 [hbm:s6], $0xF7A  }
0x23: {  	s9 =	sor.u32 $0xD0000000, s2;
	s6 =	simm.s32 $0x108;
	_ =	swait.ge @!p0 [sflag:s8], $0x0  }
0x24: {  	s3 =	sadd.s32 $0x88, s3;
	s6 =	simm.s32 @!p1 $0x1082;
	[sflag:s4] =	ssyncset.s32 $0xFFFFF086  }
0x25: {  	[simem:s6], [sflag:s4] =	dma.local [hbm:s3], $0xF7A  }
0x26: {  	[smem:$0x3F99] =	sst s1;
	(tag) =	ssettag s2;
	_ =	strace s9  }
0x27: {  	s1 =	sld [smem:$0x3FA9]  }
0x28: {  	s2 =	sld [smem:$0x3FAA]  }
0x29: {  	s4 =	sld [smem:$0x3FAC]  }
0x2a: {  	p0 =	seq.s32 s5, $0x0;
	s5 =	sld [smem:$0x3FAD]  }
0x2b: {  	s6 =	sld [smem:$0x3FAE]  }
0x2c: {  	s7 =	sld [smem:$0x3FAF]  }
0x2d: {  	s3 =	simm.s32 $0x108;
	s8 =	sld [smem:$0x3FB0]  }
0x2e: {  	s3 =	simm.s32 @!p0 $0x1082;
	s9 =	sld [smem:$0x3FB1]  }
0x2f: {  	lr =	sadd.s32 s0, s3;
	s0 =	sld [smem:$0x3FA8]  }
0x30: {  	s3 =	sld [smem:$0x3FAB]  }
0x31: {  	[smem:$0x3FB4] =	sst s10  }
0x32: {  	s10 =	sld [smem:$0x3FB2];
	_ =	sdelay $0x3  }
0x33: {  	p0 =	seq.s32 s10, $0x1;
	s10 =	sld [smem:$0x3FB4];
	_ =	sdelay $0x3  }
0x34: {  	[smem:$0x3FB4] =	sst s10  }
0x35: {  	s10 =	sld [smem:$0x3FB3];
	_ =	sdelay $0x3  }
0x36: {  	p1 =	seq.s32 s10, $0x1;
	s10 =	sld [smem:$0x3FB4];
	_ =	sdelay $0x3  }
0x37: {  	[smem:$0x3FB4] =	sst s10  }
0x38: {  	s10 =	sld [smem:$0x3FB5]  }
0x39: {  	_ = 	snop;
	(pc) =	sbr.ind lr, $3  }
0x3a: {  	_ = 	snop  }
0x3b: {  	_ = 	snop  }
0x3c: {  	p2 =	seq.s32 s10, $0x1;
	s10 =	sld [smem:$0x3FB4]  }
0x3d: {  	_ =	shalt  }
0x3e: {  	_ =	shalt  }
0x3f: {  	_ =	shalt  }
0x40: {  	_ =	shalt  }
0x41: {  	_ =	shalt  }
0x42: {  	_ =	shalt  }
0x43: {  	_ =	shalt  }
0x44: {  	_ =	shalt  }
0x45: {  	_ =	shalt  }
0x46: {  	_ =	shalt  }
0x47: {  	_ =	shalt  }
0x48: {  	_ =	shalt  }
0x49: {  	_ =	shalt  }
0x4a: {  	_ =	shalt  }
0x4b: {  	_ =	shalt  }
0x4c: {  	_ =	shalt  }
0x4d: {  	_ =	shalt  }
0x4e: {  	_ =	shalt  }
0x4f: {  	_ =	shalt  }
0x50: {  	_ =	shalt  }
0x51: {  	_ =	shalt  }
0x52: {  	_ =	shalt  }
0x53: {  	_ =	shalt  }
0x54: {  	_ =	shalt  }
0x55: {  	_ =	shalt  }
0x56: {  	_ =	shalt  }
0x57: {  	_ =	shalt  }
0x58: {  	_ =	shalt  }
0x59: {  	_ =	shalt  }
0x5a: {  	_ =	shalt  }
0x5b: {  	_ =	shalt  }
0x5c: {  	_ =	shalt  }
0x5d: {  	_ =	shalt  }
0x5e: {  	_ =	shalt  }
0x5f: {  	_ =	shalt  }
0x60: {  	_ =	shalt  }
0x61: {  	_ =	shalt  }
0x62: {  	_ =	shalt  }
0x63: {  	_ =	shalt  }
0x64: {  	_ =	shalt  }
0x65: {  	_ =	shalt  }
0x66: {  	_ =	shalt  }
0x67: {  	_ =	shalt  }
0x68: {  	_ =	shalt  }
0x69: {  	_ =	shalt  }
0x6a: {  	_ =	shalt  }
0x6b: {  	_ =	shalt  }
0x6c: {  	_ =	shalt  }
0x6d: {  	_ =	shalt  }
0x6e: {  	_ =	shalt  }
0x6f: {  	_ =	shalt  }
0x70: {  	_ =	shalt  }
0x71: {  	_ =	shalt  }
0x72: {  	_ =	shalt  }
0x73: {  	_ =	shalt  }
0x74: {  	_ =	shalt  }
0x75: {  	_ =	shalt  }
0x76: {  	_ =	shalt  }
0x77: {  	_ =	shalt  }
0x78: {  	_ =	shalt  }
0x79: {  	_ =	shalt  }
0x7a: {  	_ =	shalt  }
0x7b: {  	_ =	shalt  }
0x7c: {  	_ =	shalt  }
0x7d: {  	_ =	shalt  }
0x7e: {  	_ =	shalt  }
0x7f: {  	_ =	shalt  }
0x80: {  	_ =	shalt  }
0x81: {  	_ =	shalt  }
0x82: {  	_ =	shalt  }
0x83: {  	_ =	shalt  }
0x84: {  	_ =	shalt  }
0x85: {  	_ =	shalt  }
0x86: {  	_ =	shalt  }
0x87: {  	_ =	shalt  }
.Lfunc_end0:
.L_simem_size_0:
called_computation.2_lowered:
.L_overlay_start_0:
0x88: {  	s2 =	sld [smem:$0x3FD9]  }
0x89: {  	s3 =	sld [smem:$0x3FFE];
	_ =	sdelay $0x1  }
0x8a: {  	s1 =	srdreg.scid  }
0x8b: {  	s0 =	sand.u32 $0x1, s1  }
0x8c: {  	s17 =	sshll.u32 s0, $0xA;
	s2 =	sadd.s32 s3, s2  }
0x8d: {  	s2 =	sadd.s32 s2, s17  }
0x8e: {  	[smem:$0x3FC0] =	sst s2  }
0x8f: {  	_ = 	snop  }
0x90: {  	s2 =	sld [smem:$0x3FD0];
	(tm) =	ssettm $0x1  }
0x91: {  	s18 =	sld [smem:$0x3FFB];
	_ =	sdelay $0x3  }
0x92: {  	_ =	strace s18  }
0x93: {  	s3 =	sld [smem:$0x3FFC];
	_ =	sdelay $0x3  }
0x94: {  	_ =	strace s3  }
0x95: {  	s3 =	sld [smem:$0x3FFD];
	_ =	sdelay $0x3  }
0x96: {  	_ =	strace s3  }
0x97: {  	_ =	strace $0x8FFFFFFF  }
0x98: {  	s19 =	sld [smem:$0x3FDB];
	_ =	sdelay $0x1  }
0x99: {  	s4 =	simm.s32 $_scs_section_size  }
0x9a: {  	s5 =	simm.s32 $_size__tile_overlayer_lowered;
	s6 =	simm.s32 $_tile_overlayer_lowered  }
0x9b: {  	s22 =	simm.s32 $0x1BFF;
	s21 =	sshll.u32 s6, $0x1;
	s3 =	sadd.s32 s4, s19  }
0x9c: {  	s7 =	simm.s32 $0x0;
	s20 =	sshll.u32 s5, $0x1;
	s5 =	sadd.s32 s21, s3  }
0x9d: {  	[timem:s7], [sflag:s22] =	dma.local [hbm:s5], s20  }
0x9e: {  	_ =	swait.ge [sflag:s22], s20  }
0x9f: {  	s4 =	ssub.s32 $0x0, s20;
	[sflag:s22] =	ssyncset.done $0x0  }
0xa0: {  	[sflag:s22] =	ssyncadd.s32 s4;
	_ =	sdelay $0x1  }
0xa1: {  	s23 =	simm.s32 $0x1B8B  }
0xa2: {  	_ =	swait.ge [sflag:s23], $0x1  }
0xa3: {  	[sflag:s23] =	ssyncset.done $0x0  }
0xa4: {  	s25 =	simm.s32 $0x1B8E;
	s24 =	sld [smem:$0x3FFE];
	[sflag:s23] =	ssyncadd.s32 $0xFFFFFFFF  }
0xa5: {  	s26 =	simm.s32 $execute0_lowered;
	[smem:$0x3FD2] =	sst s25  }
0xa6: {  	s5 =	sshll.u32 s26, $0x1;
	_ =	strace $0x8000004C;
	[dreg:$0x1] =	wrdreg $0xFFFFFFFF  }
0xa7: {  	s28 =	simm.s32 $_size_execute0_lowered;
	s3 =	sadd.s32 s3, s5;
	[dreg:$0x0] =	wrdreg $0x0  }
0xa8: {  	s5 =	sshll.u32 s28, $0x1;
	[dreg:$0x2] =	wrdreg s3  }
0xa9: {  	[dreg:$0x3] =	wrdreg s5  }
0xaa: {  	[dreg:$0x4] =	wrdreg $0xC0  }
0xab: {  	_ =	task [dreg:s7], $0x5FFFF  }
0xac: {  	[dreg:$0x1] =	wrdreg $0xFFFFFFFF  }
0xad: {  	[dreg:$0x0] =	wrdreg $0x60  }
0xae: {  	[dreg:$0x2] =	wrdreg s24  }
0xaf: {  	[dreg:$0x3] =	wrdreg s2  }
0xb0: {  	[dreg:$0x4] =	wrdreg $0x66800  }
0xb1: {  	[dreg:$0x5] =	wrdreg $0x9  }
0xb2: {  	_ =	task.clear_ibuf [dreg:s7], $0x6FFFF;
	_ =	strace $0x9000004C  }
0xb3: {  	s29 =	simm.s32 $0x9;
	_ =	strace $0x8000004E  }
0xb4: {  	_ =	swait.ge [sflag:s29], $0x1  }
0xb5: {  	[sflag:s29] =	ssyncadd.s32 $0xFFFFFFFF  }
0xb6: {  	_ =	strace $0x9000004E  }
0xb7: {  	_ =	sfence  }
0xb8: {  	s30 =	sld [smem:$0x0];
	_ =	sdelay $0x2  }
0xb9: {  	s31 =	sshll.u32 s1, $0xD;
	s1 =	sshrl.u32 s1, $0x2  }
0xba: {  	s3 =	sand.u32 $0x4000, s31;
	s1 =	sadd.s32 s1, s30  }
0xbb: {  	s0 =	sor.u32 s3, s0;
	s1 =	sshll.u32 s1, $0x11  }
0xbc: {  	s0 =	sor.u32 s1, s0  }
0xbd: {  	s0 =	sadd.s32 $0x8F2B, s0  }
0xbe: {  	[sflag:s0] =	ssyncadd.remote.s32 $0x1  }
0xbf: {  	_ =	sfence.sel $0xFFFF  }
0xc0: {  	[dreg:$0x0] =	wrdreg $0xFFFFFFFF;
	(pc) =	sbr.abs _section_cstart, $3  }
0xc1: {  	[dreg:$0x1] =	wrdreg $0xFFFFFFFF  }
0xc2: {  	_ =	task.clear_ibuf [dreg:s7], $0x2FFFF;
	_ =	strace $0x9FFFFFFF  }
0xc3: {  	(tm) =	ssettm $0x7FFFFFFF  }
tec
execute0_lowered:
.L_overlay_start_1:
0x0: {  	(tag) =	ssettag $0x1  }
0x1: {  	s5 =	rddreg [dreg:$0x0]  }
0x2: {  	s0 =	srdreg.scid;
	s9 =	rddreg [dreg:$0x1]  }
0x3: {  	s2 =	rddreg [dreg:$0x2];
	s3 =	simm.s32 $0x0;
	s14 =	simm.s32 $0x7D  }
0x4: {  	s15 =	simm.s32 $0x2800;
	s16 =	simm.s32 $0x4740;
	s17 =	simm.s32 $0x1  }
0x5: {  	s18 =	simm.s32 $0x2;
	s19 =	simm.s32 $0x1380;
	s20 =	simm.s32 $0x2700  }
0x6: {  	s21 =	simm.s32 $0x2780;
	s6 =	sand.u32 $0x1, s0;
	s0 =	stileid.u32  }
0x7: {  	s22 =	simm.s32 $0x0;
	[smem:$0x7FF] =	sst s3;
	s8 =	smul.u32 $0x14000, s0  }
0x8: {  	s1 =	sshll.u32 s6, $0x4;
	s11 =	ssub.s32 $0x2, s6;
	s6 =	smul.u32 $0x140000, s6  }
0x9: {  	s30 =	sshll.u32 s0, $0x6;
	s4 =	sor.u32 s0, s1;
	s1 =	rddreg [dreg:$0x3]  }
0xa: {  	_ =	strace $0x8000004D;
	s12 =	sshrl.u32 s11, $0x1;
	s7 =	smul.u32 $0x280, s4  }
0xb: {  	s4 =	sadd.s32 $0xBA00, s5;
	s28 =	sshrl.u32 s8, $0x4;
	s13 =	sshrl.u32 s8, $0x1  }
0xc: {  	s11 =	ssub.s32 s11, s12;
	s8 =	sadd.s32 s8, s6;
	s6 =	sor.u32 $0x1C03, s30  }
0xd: {  	s12 =	simm.s32 $0x3;
	s29 =	sadd.s32 s13, s2;
	s31 =	sshrl.u32 s8, $0x4  }
0xe: {  	s13 =	simm.s32 $0x1400;
	s10 =	sadd.s32 s7, s5;
	s5 =	sadd.s32 s28, s5  }
0xf: {  	s9 =	sadd.s32 s9, s31;
	s5 =	sadd.s32 $0x94800, s5;
	s7 =	sadd.s32 $0x6A00, s10  }
0x10: {  	s8 =	sadd.s32 $0x1A00, s10;
	s10 =	smax.u32 s11, $0x1;
	s11 =	sshrl.u32 s29, $0x3  }
.LBB2_1:
0x11: {  	[spmem:s11], [sflag:s6] =	dma.local [hbm:s5], $0x1400  }
0x12: {  	_ =	swait.ge [sflag:s12], $0x1400  }
0x13: {  	[sflag:s12] =	ssyncset.done $0x0  }
0x14: {  	[sflag:s12] =	ssyncadd.s32 $0xFFFFEC00  }
0x15: {  	[tilespmem:s3], [sflag:$0x3] =	stream.linear.gather [hbm4b:s7+s3], $0x1400, $0x38;
	[tilespmem:$0x10680] =	vst v63  }
0x16: {  	_ =	swait.ge [sflag:s12], $0x1400  }
0x17: {  	[sflag:s12] =	ssyncset.done $0x0  }
0x18: {  	[sflag:s12] =	ssyncadd.s32 $0xFFFFEC00  }
0x19: {  	[tilespmem:s13], [sflag:$0x3] =	stream.linear.gather [hbm4b:s8+s3], $0x1400, $0x38;
	[tilespmem:$0x10680] =	vst v63  }
0x1a: {  	_ =	swait.ge [sflag:s12], $0x1400  }
0x1b: {  	[sflag:s12] =	ssyncset.done $0x0  }
0x1c: {  	[sflag:s12] =	ssyncadd.s32 $0xFFFFEC00  }
0x1d: {  	[bflag:$0x0] =	sbarrier.arrive $0xFFFF  }
0x1e: {  	[tilespmem:s15], [sflag:$0x1] =	stream.indirect.gather [hbm4b:s4+s14], $0x40, s3, s14, $0xb8;
	[tilespmem:$0x10680] =	vst v63  }
0x1f: {  	s23 =	simm.s32 $0x80  }
0x20: {  	[tilespmem:s16], [sflag:$0x2] =	stream.indirect.gather [hbm4b:s4+s14], $0x40, s23, s14, $0xb8;
	[tilespmem:$0x10680] =	vst v63  }
0x21: {  	_ =	swait.ge [sflag:s17], $0x1F40  }
0x22: {  	[sflag:s17] =	ssyncset.done $0x0  }
0x23: {  	s29 =	simm.s32 $0x1400;
	[sflag:s17] =	ssyncadd.s32 $0xFFFFE0C0  }
0x24: {  	[spmem:s2] =	stream.indirect.scatter.add.bf16 [tilespmem:s15], [sflag:$0x3], $0x40, s29, s14, $0xb8;
	[tilespmem:$0x10680] =	vst v63  }
0x25: {  	_ =	swait.ge [sflag:s12], $0x1F40  }
0x26: {  	[sflag:s12] =	ssyncset.done $0x0  }
0x27: {  	s30 =	simm.s32 $0x100;
	[sflag:s12] =	ssyncadd.s32 $0xFFFFE0C0  }
0x28: {  	[tilespmem:s15], [sflag:$0x1] =	stream.indirect.gather [hbm4b:s4+s14], $0x40, s30, s14, $0xb8;
	[tilespmem:$0x10680] =	vst v63  }
0x29: {  	_ =	swait.ge [sflag:s18], $0x1F40  }
0x2a: {  	[sflag:s18] =	ssyncset.done $0x0  }
0x2b: {  	s31 =	simm.s32 $0x1480;
	[sflag:s18] =	ssyncadd.s32 $0xFFFFE0C0  }
0x2c: {  	[spmem:s2] =	stream.indirect.scatter.add.bf16 [tilespmem:s16], [sflag:$0x3], $0x40, s31, s14, $0xb8;
	[tilespmem:$0x10680] =	vst v63  }
0x2d: {  	_ =	swait.ge [sflag:s12], $0x1F40  }
0x2e: {  	s24 =	simm.s32 $0x800;
	s23 =	simm.s32 $0x100;
	[sflag:s12] =	ssyncset.done $0x0  }
.LBB2_2:
0x2f: {  	s25 =	sadd.s32 $0x80, s23  }
0x30: {  	[sflag:s12] =	ssyncadd.s32 $0xFFFFE0C0;
	s26 =	smov.u32 s24;
	s28 =	sadd.s32 $0x400, s24  }
0x31: {  	[tilespmem:s16], [sflag:$0x2] =	stream.indirect.gather [hbm4b:s4+s14], $0x40, s25, s14, $0xb8;
	[tilespmem:$0x10680] =	vst v63  }
0x32: {  	p0 =	sne.s32 s24, $0x4800;
	_ =	swait.ge [sflag:s17], $0x1F40  }
0x33: {  	[sflag:s17] =	ssyncset.done $0x0  }
0x34: {  	s24 =	sadd.s32 $0x1400, s23;
	[sflag:s17] =	ssyncadd.s32 $0xFFFFE0C0  }
0x35: {  	[spmem:s2] =	stream.indirect.scatter.add.bf16 [tilespmem:s15], [sflag:$0x3], $0x40, s24, s14, $0xb8;
	[tilespmem:$0x10680] =	vst v63  }
0x36: {  	_ =	swait.ge [sflag:s12], $0x1F40  }
0x37: {  	[sflag:s12] =	ssyncset.done $0x0  }
0x38: {  	s24 =	sadd.s32 $0x100, s23;
	[sflag:s12] =	ssyncadd.s32 $0xFFFFE0C0  }
0x39: {  	[tilespmem:s15], [sflag:$0x1] =	stream.indirect.gather [hbm4b:s4+s14], $0x40, s24, s14, $0xb8;
	[tilespmem:$0x10680] =	vst v63  }
0x3a: {  	_ =	swait.ge [sflag:s18], $0x1F40  }
.Ltmp0:
0x3b: {  	[sflag:s18] =	ssyncset.done $0x0;
	(pc) =	sbr.rel @p0 .LBB2_2-.Ltmp0, $4  }
0x3c: {  	s23 =	sadd.s32 $0x1480, s23;
	[sflag:s18] =	ssyncadd.s32 $0xFFFFE0C0  }
0x3d: {  	[spmem:s2] =	stream.indirect.scatter.add.bf16 [tilespmem:s16], [sflag:$0x3], $0x40, s23, s14, $0xb8;
	[tilespmem:$0x10680] =	vst v63  }
0x3e: {  	_ =	swait.ge [sflag:s12], $0x1F40  }
0x3f: {  	s24 =	smov.u32 s28;
	s23 =	sshra.s32 s26, $0x2;
	[sflag:s12] =	ssyncset.done $0x0  }
0x40: {  	s24 =	sadd.s32 $0x80, s23;
	[sflag:s12] =	ssyncadd.s32 $0xFFFFE0C0  }
0x41: {  	[tilespmem:s16], [sflag:$0x2] =	stream.indirect.gather [hbm4b:s4+s14], $0x40, s24, s14, $0xb8;
	[tilespmem:$0x10680] =	vst v63  }
0x42: {  	_ =	swait.ge [sflag:s17], $0x1F40  }
0x43: {  	[sflag:s17] =	ssyncset.done $0x0  }
0x44: {  	s29 =	sadd.s32 $0x1400, s23;
	[sflag:s17] =	ssyncadd.s32 $0xFFFFE0C0  }
0x45: {  	[spmem:s2] =	stream.indirect.scatter.add.bf16 [tilespmem:s15], [sflag:$0x3], $0x40, s29, s14, $0xb8;
	[tilespmem:$0x10680] =	vst v63  }
0x46: {  	_ =	swait.ge [sflag:s12], $0x1F40  }
0x47: {  	[sflag:s12] =	ssyncset.done $0x0  }
0x48: {  	s30 =	sadd.s32 $0x100, s23;
	[sflag:s12] =	ssyncadd.s32 $0xFFFFE0C0  }
0x49: {  	[tilespmem:s15], [sflag:$0x1] =	stream.indirect.gather [hbm4b:s4+s14], $0x40, s30, s14, $0xb8;
	[tilespmem:$0x10680] =	vst v63  }
0x4a: {  	_ =	swait.ge [sflag:s18], $0x1F40  }
0x4b: {  	[sflag:s18] =	ssyncset.done $0x0  }
0x4c: {  	s31 =	sadd.s32 $0x1480, s23;
	[sflag:s18] =	ssyncadd.s32 $0xFFFFE0C0  }
0x4d: {  	[spmem:s2] =	stream.indirect.scatter.add.bf16 [tilespmem:s16], [sflag:$0x3], $0x40, s31, s14, $0xb8;
	[tilespmem:$0x10680] =	vst v63  }
0x4e: {  	_ =	swait.ge [sflag:s12], $0x1F40  }
0x4f: {  	[sflag:s12] =	ssyncset.done $0x0  }
0x50: {  	[sflag:s12] =	ssyncadd.s32 $0xFFFFE0C0  }
0x51: {  	[tilespmem:s16], [sflag:$0x2] =	stream.indirect.gather [hbm4b:s4+s14], $0x40, s19, s14, $0xb8;
	[tilespmem:$0x10680] =	vst v63  }
0x52: {  	_ =	swait.ge [sflag:s17], $0x1F40  }
0x53: {  	[sflag:s17] =	ssyncset.done $0x0  }
0x54: {  	[sflag:s17] =	ssyncadd.s32 $0xFFFFE0C0  }
0x55: {  	[spmem:s2] =	stream.indirect.scatter.add.bf16 [tilespmem:s15], [sflag:$0x3], $0x40, s20, s14, $0xb8;
	[tilespmem:$0x10680] =	vst v63  }
0x56: {  	_ =	swait.ge [sflag:s12], $0x1F40  }
0x57: {  	[sflag:s12] =	ssyncset.done $0x0  }
0x58: {  	[sflag:s12] =	ssyncadd.s32 $0xFFFFE0C0  }
0x59: {  	_ =	swait.ge [sflag:s18], $0x1F40  }
0x5a: {  	[sflag:s18] =	ssyncset.done $0x0  }
0x5b: {  	[sflag:s18] =	ssyncadd.s32 $0xFFFFE0C0  }
0x5c: {  	[spmem:s2] =	stream.indirect.scatter.add.bf16 [tilespmem:s16], [sflag:$0x3], $0x40, s21, s14, $0xb8;
	[tilespmem:$0x10680] =	vst v63  }
0x5d: {  	_ =	swait.ge [sflag:s12], $0x1F40  }
0x5e: {  	s22 =	sadd.s32 $0x1, s22;
	[sflag:s12] =	ssyncset.done $0x0  }
0x5f: {  	p0 =	sne.s32 s22, s10;
	[sflag:s12] =	ssyncadd.s32 $0xFFFFE0C0  }
.Ltmp1:
0x60: {  	[bflag:$0x0] =	sbarrier.arrive $0xFFFF;
	(pc) =	sbr.rel @p0 .LBB2_1-.Ltmp1, $4  }
0x61: {  	[hbm:s9], [sflag:s6] =	dma.local [spmem:s11], $0x1400  }
0x62: {  	_ =	swait.ge [sflag:s12], $0x1400  }
0x63: {  	[sflag:s12] =	ssyncset.done $0x0  }
0x64: {  	[sflag:s12] =	ssyncadd.s32 $0xFFFFEC00  }
0x65: {  	_ =	sfence.sel $0x180000  }
0x66: {  	[bflag:$0x0] =	sbarrier.arrive $0xFFFF  }
0x67: {  	p0 =	sne.s32 s0, $0x0;
	_ =	strace $0x9000004D  }
0x68: {  	s0 =	sadd.s32 @!p0 $0x100000, s1;
	[bflag:$0x2] =	sbarrier.arrive $0xFFFF  }
0x69: {  	[sflag:s0] =	ssyncadd.tile.s32 @!p0 $0x1;
	_ =	shalt  }
.Lfunc_end2:
_tile_overlayer_lowered:
.L_overlay_start_2:
0x6a: {  	(tag) =	ssettag $0x2  }
0x6b: {  	s0 =	rddreg [dreg:$0x0];
	s2 =	stileid.u32  }
0x6c: {  	s1 =	rddreg [dreg:$0x1];
	p0 =	sne.s32 s2, $0x0  }
0x6d: {  	s3 =	rddreg [dreg:$0x2];
	[bflag:$0x3] =	sbarrier.arrive $0xFFFF;
	s2 =	simm.s32 @!p0 $0x1C03  }
0x6e: {  	[timem:s3], [sflag:s2] =	dma.local @!p0 [hbm:s0], s1  }
0x6f: {  	s0 =	simm.s32 @!p0 $0x3  }
0x70: {  	_ =	swait.ge @!p0 [sflag:s0], s1  }
0x71: {  	s1 =	ssub.s32 @!p0 $0x0, s1;
	[sflag:s0] =	ssyncset.done @!p0 $0x0  }
0x72: {  	[sflag:s0] =	ssyncadd.s32 @!p0 s1  }
0x73: {  	[bflag:$0x3] =	sbarrier.arrive $0xFFFF  }
0x74: {  	_ =	shalt  }

// kernel: kernel.18.cloned.1.call-start
scs
__scs_entry_jumppad:
0x0: {  	(pc) =	sbr.rel $0x88, $3  }
0x1: {  	(tag) =	ssettag $0x0;
	lr =	simm.s32 $0x1  }
0x2: {  	[smem:$0x3F99] =	sst lr;
	_ =	strace $0xD0000000  }
0x3: {  	_ = 	snop  }
0x4: {  	_ = 	snop  }
0x5: {  	_ = 	snop  }
0x6: {  	_ = 	snop  }
0x7: {  	_ = 	snop  }
__scs_overlays_trampoline_lowered:
0x8: {  	[smem:$0x3FA8] =	sst s0  }
0x9: {  	[smem:$0x3FA9] =	sst s1  }
0xa: {  	[smem:$0x3FAA] =	sst s2  }
0xb: {  	[smem:$0x3FAB] =	sst s3  }
0xc: {  	[smem:$0x3FAC] =	sst s4  }
0xd: {  	[smem:$0x3FAD] =	sst s5  }
0xe: {  	[smem:$0x3FAE] =	sst s6  }
0xf: {  	[smem:$0x3FAF] =	sst s7  }
0x10: {  	[smem:$0x3FB0] =	sst s8  }
0x11: {  	[smem:$0x3FB1] =	sst s9;
	s0 =	simm.s32 @!p0 $0x0  }
0x12: {  	s1 =	sld [smem:$0x3F97];
	s0 =	simm.s32 @p0 $0x1  }
0x13: {  	[smem:$0x3FB2] =	sst s0;
	s0 =	simm.s32 @!p1 $0x0  }
0x14: {  	s2 =	sld [smem:$0x3F96];
	s0 =	simm.s32 @p1 $0x1  }
0x15: {  	[smem:$0x3FB3] =	sst s0;
	s0 =	simm.s32 @!p2 $0x0  }
0x16: {  	s3 =	sld [smem:$0x3FDB];
	s0 =	simm.s32 @p2 $0x1  }
0x17: {  	s4 =	simm.s32 $0x1BF5;
	[smem:$0x3FB5] =	sst s0  }
0x18: {  	s0 =	sld [smem:$0x3F98];
	_ =	swait.ge [sflag:s4], $0x0  }
0x19: {  	s7 =	sld [smem:$0x3F99]  }
0x1a: {  	s8 =	sadd.s32 $0xFFFFE003, lr  }
0x1b: {  	s9 =	sadd.s32 $0xFFFFFEF7, lr;
	s5 =	simm.s32 $0xFFFFFFFF;
	p2 =	slt.u32 s8, $0xFFFFF086  }
0x1c: {  	p1 =	slt.u32 s9, $0xF7A;
	s5 =	simm.s32 @!p2 $0x0  }
0x1d: {  	s5 =	simm.s32 @p1 $0x1;
	p0 =	seq.s32 s7, s2  }
0x1e: {  	s7 =	smul.u32 @!p0 $0xF7A, s2;
	p2 =	seq.s32 @!p0 s5, $0x0  }
0x1f: {  	s9 =	smul.u32 $0xF7A, s1;
	s8 =	simm.s32 @!p0 $0x1BF5;
	p2 =	por !p2, p0  }
0x20: {  	[sflag:s8] =	ssyncset.s32 @!p0 $0xFFFFF086;
	s6 =	sadd.s32 @!p0 s3, s7;
	s7 =	simm.s32 @!p0 $0x108  }
0x21: {  	s3 =	sadd.s32 s3, s9;
	s6 =	sadd.s32 @!p0 $0x88, s6;
	s7 =	simm.s32 @p2 $0x1082  }
0x22: {  	[simem:s7], [sflag:s8] =	dma.local @!p0 [hbm:s6], $0xF7A  }
0x23: {  	s9 =	sor.u32 $0xD0000000, s2;
	s6 =	simm.s32 $0x108;
	_ =	swait.ge @!p0 [sflag:s8], $0x0  }
0x24: {  	s3 =	sadd.s32 $0x88, s3;
	s6 =	simm.s32 @!p1 $0x1082;
	[sflag:s4] =	ssyncset.s32 $0xFFFFF086  }
0x25: {  	[simem:s6], [sflag:s4] =	dma.local [hbm:s3], $0xF7A  }
0x26: {  	[smem:$0x3F99] =	sst s1;
	(tag) =	ssettag s2;
	_ =	strace s9  }
0x27: {  	s1 =	sld [smem:$0x3FA9]  }
0x28: {  	s2 =	sld [smem:$0x3FAA]  }
0x29: {  	s4 =	sld [smem:$0x3FAC]  }
0x2a: {  	p0 =	seq.s32 s5, $0x0;
	s5 =	sld [smem:$0x3FAD]  }
0x2b: {  	s6 =	sld [smem:$0x3FAE]  }
0x2c: {  	s7 =	sld [smem:$0x3FAF]  }
0x2d: {  	s3 =	simm.s32 $0x108;
	s8 =	sld [smem:$0x3FB0]  }
0x2e: {  	s3 =	simm.s32 @!p0 $0x1082;
	s9 =	sld [smem:$0x3FB1]  }
0x2f: {  	lr =	sadd.s32 s0, s3;
	s0 =	sld [smem:$0x3FA8]  }
0x30: {  	s3 =	sld [smem:$0x3FAB]  }
0x31: {  	[smem:$0x3FB4] =	sst s10  }
0x32: {  	s10 =	sld [smem:$0x3FB2];
	_ =	sdelay $0x3  }
0x33: {  	p0 =	seq.s32 s10, $0x1;
	s10 =	sld [smem:$0x3FB4];
	_ =	sdelay $0x3  }
0x34: {  	[smem:$0x3FB4] =	sst s10  }
0x35: {  	s10 =	sld [smem:$0x3FB3];
	_ =	sdelay $0x3  }
0x36: {  	p1 =	seq.s32 s10, $0x1;
	s10 =	sld [smem:$0x3FB4];
	_ =	sdelay $0x3  }
0x37: {  	[smem:$0x3FB4] =	sst s10  }
0x38: {  	s10 =	sld [smem:$0x3FB5]  }
0x39: {  	_ = 	snop;
	(pc) =	sbr.ind lr, $3  }
0x3a: {  	_ = 	snop  }
0x3b: {  	_ = 	snop  }
0x3c: {  	p2 =	seq.s32 s10, $0x1;
	s10 =	sld [smem:$0x3FB4]  }
0x3d: {  	_ =	shalt  }
0x3e: {  	_ =	shalt  }
0x3f: {  	_ =	shalt  }
0x40: {  	_ =	shalt  }
0x41: {  	_ =	shalt  }
0x42: {  	_ =	shalt  }
0x43: {  	_ =	shalt  }
0x44: {  	_ =	shalt  }
0x45: {  	_ =	shalt  }
0x46: {  	_ =	shalt  }
0x47: {  	_ =	shalt  }
0x48: {  	_ =	shalt  }
0x49: {  	_ =	shalt  }
0x4a: {  	_ =	shalt  }
0x4b: {  	_ =	shalt  }
0x4c: {  	_ =	shalt  }
0x4d: {  	_ =	shalt  }
0x4e: {  	_ =	shalt  }
0x4f: {  	_ =	shalt  }
0x50: {  	_ =	shalt  }
0x51: {  	_ =	shalt  }
0x52: {  	_ =	shalt  }
0x53: {  	_ =	shalt  }
0x54: {  	_ =	shalt  }
0x55: {  	_ =	shalt  }
0x56: {  	_ =	shalt  }
0x57: {  	_ =	shalt  }
0x58: {  	_ =	shalt  }
0x59: {  	_ =	shalt  }
0x5a: {  	_ =	shalt  }
0x5b: {  	_ =	shalt  }
0x5c: {  	_ =	shalt  }
0x5d: {  	_ =	shalt  }
0x5e: {  	_ =	shalt  }
0x5f: {  	_ =	shalt  }
0x60: {  	_ =	shalt  }
0x61: {  	_ =	shalt  }
0x62: {  	_ =	shalt  }
0x63: {  	_ =	shalt  }
0x64: {  	_ =	shalt  }
0x65: {  	_ =	shalt  }
0x66: {  	_ =	shalt  }
0x67: {  	_ =	shalt  }
0x68: {  	_ =	shalt  }
0x69: {  	_ =	shalt  }
0x6a: {  	_ =	shalt  }
0x6b: {  	_ =	shalt  }
0x6c: {  	_ =	shalt  }
0x6d: {  	_ =	shalt  }
0x6e: {  	_ =	shalt  }
0x6f: {  	_ =	shalt  }
0x70: {  	_ =	shalt  }
0x71: {  	_ =	shalt  }
0x72: {  	_ =	shalt  }
0x73: {  	_ =	shalt  }
0x74: {  	_ =	shalt  }
0x75: {  	_ =	shalt  }
0x76: {  	_ =	shalt  }
0x77: {  	_ =	shalt  }
0x78: {  	_ =	shalt  }
0x79: {  	_ =	shalt  }
0x7a: {  	_ =	shalt  }
0x7b: {  	_ =	shalt  }
0x7c: {  	_ =	shalt  }
0x7d: {  	_ =	shalt  }
0x7e: {  	_ =	shalt  }
0x7f: {  	_ =	shalt  }
0x80: {  	_ =	shalt  }
0x81: {  	_ =	shalt  }
0x82: {  	_ =	shalt  }
0x83: {  	_ =	shalt  }
0x84: {  	_ =	shalt  }
0x85: {  	_ =	shalt  }
0x86: {  	_ =	shalt  }
0x87: {  	_ =	shalt  }
.Lfunc_end0:
.L_simem_size_0:
called_computation.3_lowered:
.L_overlay_start_0:
0x88: {  	s2 =	sld [smem:$0x3FD9]  }
0x89: {  	s3 =	sld [smem:$0x3FFE];
	_ =	sdelay $0x1  }
0x8a: {  	s1 =	srdreg.scid  }
0x8b: {  	s0 =	sand.u32 $0x1, s1  }
0x8c: {  	s17 =	sshll.u32 s0, $0xA;
	s2 =	sadd.s32 s3, s2  }
0x8d: {  	s2 =	sadd.s32 s2, s17  }
0x8e: {  	[smem:$0x3FC0] =	sst s2  }
0x8f: {  	_ = 	snop  }
0x90: {  	(tm) =	ssettm $0x1  }
0x91: {  	s18 =	sld [smem:$0x3FFB];
	_ =	sdelay $0x3  }
0x92: {  	_ =	strace s18  }
0x93: {  	s2 =	sld [smem:$0x3FFC];
	_ =	sdelay $0x3  }
0x94: {  	_ =	strace s2  }
0x95: {  	s2 =	sld [smem:$0x3FFD];
	_ =	sdelay $0x3  }
0x96: {  	_ =	strace s2  }
0x97: {  	_ =	strace $0x8FFFFFFF  }
0x98: {  	s19 =	sld [smem:$0x3FDB];
	_ =	sdelay $0x1  }
0x99: {  	s20 =	simm.s32 $_scs_section_size  }
0x9a: {  	s4 =	simm.s32 $_size__tile_overlayer_lowered;
	s5 =	simm.s32 $_tile_overlayer_lowered  }
0x9b: {  	s6 =	simm.s32 $0x1BFF;
	s21 =	sshll.u32 s5, $0x1;
	s3 =	sadd.s32 s20, s19  }
0x9c: {  	s22 =	simm.s32 $0x0;
	s4 =	sshll.u32 s4, $0x1;
	s5 =	sadd.s32 s21, s3  }
0x9d: {  	[timem:s22], [sflag:s6] =	dma.local [hbm:s5], s4  }
0x9e: {  	_ =	swait.ge [sflag:s6], s4  }
0x9f: {  	s4 =	ssub.s32 $0x0, s4;
	[sflag:s6] =	ssyncset.done $0x0  }
0xa0: {  	[sflag:s6] =	ssyncadd.s32 s4;
	_ =	sdelay $0x1  }
0xa1: {  	s23 =	simm.s32 $0x1B8B  }
0xa2: {  	_ =	swait.ge [sflag:s23], $0x1  }
0xa3: {  	[sflag:s23] =	ssyncset.done $0x0  }
0xa4: {  	[sflag:s23] =	ssyncadd.s32 $0xFFFFFFFF  }
0xa5: {  	s4 =	sld [smem:$0x0]  }
0xa6: {  	s5 =	sand.u32 $0xFFFFFFFE, s1  }
0xa7: {  	p0 =	sne.s32 s1, s5  }
0xa8: {  	s5 =	sshll.u32 @p0 s5, $0xE  }
0xa9: {  	s5 =	sadd.s32 @p0 $0x11B8D, s5;
	s6 =	sshll.u32 @p0 s4, $0x11  }
0xaa: {  	s5 =	sor.u32 @p0 s6, s5  }
0xab: {  	[sflag:s5] =	ssyncadd.remote.s32 @p0 $0x1;
	_ =	sdelay $0x1  }
0xac: {  	s5 =	simm.s32 @p0 $0x1B8D  }
0xad: {  	_ =	swait.eq @p0 [sflag:s5], $0x1  }
0xae: {  	[sflag:s5] =	ssyncadd.s32 @p0 $0xFFFFFFFF  }
0xaf: {  	s6 =	sshll.u32 @!p0 s1, $0xE  }
0xb0: {  	s6 =	sor.u32 @!p0 $0x4000, s6;
	s5 =	simm.s32 @!p0 $0x1B8D  }
0xb1: {  	s4 =	sshll.u32 @!p0 s4, $0x11;
	s6 =	sadd.s32 @!p0 $0x11B8D, s6;
	_ =	swait.eq @!p0 [sflag:s5], $0x1  }
0xb2: {  	s4 =	sor.u32 @!p0 s4, s6;
	[sflag:s5] =	ssyncadd.s32 @!p0 $0xFFFFFFFF  }
0xb3: {  	s25 =	simm.s32 $0x1B8E;
	s24 =	sld [smem:$0x3FFE];
	[sflag:s4] =	ssyncadd.remote.s32 @!p0 $0x1  }
0xb4: {  	s26 =	simm.s32 $execute0_lowered;
	[smem:$0x3FD2] =	sst s25  }
0xb5: {  	s5 =	sshll.u32 s26, $0x1;
	_ =	strace $0x8000004F;
	[dreg:$0x1] =	wrdreg $0xFFFFFFFF  }
0xb6: {  	s28 =	simm.s32 $_size_execute0_lowered;
	s3 =	sadd.s32 s3, s5;
	[dreg:$0x0] =	wrdreg $0x0  }
0xb7: {  	s5 =	sshll.u32 s28, $0x1;
	[dreg:$0x2] =	wrdreg s3  }
0xb8: {  	[dreg:$0x3] =	wrdreg s5  }
0xb9: {  	[dreg:$0x4] =	wrdreg $0xC0  }
0xba: {  	_ =	task [dreg:s22], $0x5FFFF  }
0xbb: {  	[dreg:$0x1] =	wrdreg $0xFFFFFFFF  }
0xbc: {  	[dreg:$0x0] =	wrdreg $0x60  }
0xbd: {  	[dreg:$0x2] =	wrdreg s24  }
0xbe: {  	[dreg:$0x3] =	wrdreg $0x37A00  }
0xbf: {  	[dreg:$0x4] =	wrdreg $0xA  }
0xc0: {  	_ =	task.clear_ibuf [dreg:s22], $0x5FFFF;
	_ =	strace $0x9000004F  }
0xc1: {  	s29 =	simm.s32 $0xA;
	_ =	strace $0x80000051  }
0xc2: {  	_ =	swait.ge [sflag:s29], $0x1  }
0xc3: {  	[sflag:s29] =	ssyncadd.s32 $0xFFFFFFFF  }
0xc4: {  	_ =	strace $0x90000051  }
0xc5: {  	_ =	sfence  }
0xc6: {  	s30 =	sld [smem:$0x0];
	_ =	sdelay $0x2  }
0xc7: {  	s31 =	sshll.u32 s1, $0xD;
	s1 =	sshrl.u32 s1, $0x2  }
0xc8: {  	s4 =	sand.u32 $0x4000, s31;
	s1 =	sadd.s32 s1, s30  }
0xc9: {  	s0 =	sor.u32 s4, s0;
	s1 =	sshll.u32 s1, $0x11  }
0xca: {  	s0 =	sor.u32 s1, s0  }
0xcb: {  	s0 =	sadd.s32 $0x8F2B, s0  }
0xcc: {  	[sflag:s0] =	ssyncadd.remote.s32 $0x1  }
0xcd: {  	_ =	sfence.sel $0xFFFF  }
0xce: {  	[dreg:$0x0] =	wrdreg $0xFFFFFFFF;
	(pc) =	sbr.abs _section_cstart, $3  }
0xcf: {  	[dreg:$0x1] =	wrdreg $0xFFFFFFFF  }
0xd0: {  	_ =	task.clear_ibuf [dreg:s22], $0x2FFFF;
	_ =	strace $0x9FFFFFFF  }
0xd1: {  	(tm) =	ssettm $0x7FFFFFFF  }
tec
execute0_lowered:
.L_overlay_start_1:
0x0: {  	(tag) =	ssettag $0x1  }
0x1: {  	s6 =	rddreg [dreg:$0x0]  }
0x2: {  	s0 =	srdreg.scid;
	s2 =	rddreg [dreg:$0x1]  }
0x3: {  	s3 =	simm.s32 $0x0;
	s13 =	simm.s32 $0x1400;
	s14 =	simm.s32 $0x7D  }
0x4: {  	s15 =	simm.s32 $0x2800;
	s16 =	simm.s32 $0x2FD0;
	s17 =	simm.s32 $0x1  }
0x5: {  	s18 =	simm.s32 $0x2;
	s19 =	simm.s32 $0x1380;
	s20 =	simm.s32 $0x2700  }
0x6: {  	s21 =	simm.s32 $0x2780;
	s5 =	sand.u32 $0x1, s0;
	s0 =	stileid.u32  }
0x7: {  	s22 =	simm.s32 $0x0;
	[smem:$0x7FF] =	sst s3;
	s8 =	smul.u32 $0x5000, s0  }
0x8: {  	s4 =	sadd.s32 $0xA8800, s6;
	s1 =	sshll.u32 s5, $0x4;
	s9 =	smul.u32 $0x50000, s5  }
0x9: {  	s5 =	ssub.s32 $0x2, s5;
	s31 =	sshll.u32 s0, $0x6;
	s1 =	sor.u32 s0, s1  }
0xa: {  	s30 =	sshrl.u32 s5, $0x1;
	s7 =	smul.u32 $0x280, s1;
	s1 =	rddreg [dreg:$0x2]  }
0xb: {  	_ =	strace $0x80000050;
	s29 =	sshrl.u32 s8, $0x4;
	s9 =	sadd.s32 s8, s9  }
0xc: {  	s8 =	sshrl.u32 s8, $0x1;
	s11 =	ssub.s32 s5, s30;
	s9 =	sshrl.u32 s9, $0x4  }
0xd: {  	s12 =	sadd.s32 s8, s2;
	s10 =	sadd.s32 s7, s6;
	s7 =	sadd.s32 s29, s6  }
0xe: {  	s9 =	sadd.s32 s9, s6;
	s6 =	sor.u32 $0x1C03, s31;
	s5 =	sadd.s32 $0xAD800, s7  }
0xf: {  	s7 =	sadd.s32 $0x6A00, s10;
	s8 =	sadd.s32 $0x1A00, s10;
	s9 =	sadd.s32 $0x1F400, s9  }
0x10: {  	s10 =	smax.u32 s11, $0x1;
	s11 =	sshrl.u32 s12, $0x3;
	s12 =	simm.s32 $0x3  }
.LBB2_1:
0x11: {  	[spmem:s11], [sflag:s6] =	dma.local [hbm:s5], $0x500  }
0x12: {  	_ =	swait.ge [sflag:s12], $0x500  }
0x13: {  	[sflag:s12] =	ssyncset.done $0x0  }
0x14: {  	[sflag:s12] =	ssyncadd.s32 $0xFFFFFB00  }
0x15: {  	[tilespmem:s3], [sflag:$0x3] =	stream.linear.gather [hbm4b:s7+s3], $0x1400, $0x38;
	[tilespmem:$0x5FA0] =	vst v63  }
0x16: {  	_ =	swait.ge [sflag:s12], $0x1400  }
0x17: {  	[sflag:s12] =	ssyncset.done $0x0  }
0x18: {  	[sflag:s12] =	ssyncadd.s32 $0xFFFFEC00  }
0x19: {  	[tilespmem:s13], [sflag:$0x3] =	stream.linear.gather [hbm4b:s8+s3], $0x1400, $0x38;
	[tilespmem:$0x5FA0] =	vst v63  }
0x1a: {  	_ =	swait.ge [sflag:s12], $0x1400  }
0x1b: {  	[sflag:s12] =	ssyncset.done $0x0  }
0x1c: {  	[sflag:s12] =	ssyncadd.s32 $0xFFFFEC00  }
0x1d: {  	[bflag:$0x0] =	sbarrier.arrive $0xFFFF  }
0x1e: {  	[tilespmem:s15], [sflag:$0x1] =	stream.indirect.gather [hbm4b:s4+s14], $0x10, s3, s14, $0xb8;
	[tilespmem:$0x5FA0] =	vst v63  }
0x1f: {  	s23 =	simm.s32 $0x80  }
0x20: {  	[tilespmem:s16], [sflag:$0x2] =	stream.indirect.gather [hbm4b:s4+s14], $0x10, s23, s14, $0xb8;
	[tilespmem:$0x5FA0] =	vst v63  }
0x21: {  	_ =	swait.ge [sflag:s17], $0x7D0  }
0x22: {  	[sflag:s17] =	ssyncset.done $0x0  }
0x23: {  	s29 =	simm.s32 $0x1400;
	[sflag:s17] =	ssyncadd.s32 $0xFFFFF830  }
0x24: {  	[spmem:s2] =	stream.indirect.scatter.add.bf16 [tilespmem:s15], [sflag:$0x3], $0x10, s29, s14, $0xb8;
	[tilespmem:$0x5FA0] =	vst v63  }
0x25: {  	_ =	swait.ge [sflag:s12], $0x7D0  }
0x26: {  	[sflag:s12] =	ssyncset.done $0x0  }
0x27: {  	s30 =	simm.s32 $0x100;
	[sflag:s12] =	ssyncadd.s32 $0xFFFFF830  }
0x28: {  	[tilespmem:s15], [sflag:$0x1] =	stream.indirect.gather [hbm4b:s4+s14], $0x10, s30, s14, $0xb8;
	[tilespmem:$0x5FA0] =	vst v63  }
0x29: {  	_ =	swait.ge [sflag:s18], $0x7D0  }
0x2a: {  	[sflag:s18] =	ssyncset.done $0x0  }
0x2b: {  	s31 =	simm.s32 $0x1480;
	[sflag:s18] =	ssyncadd.s32 $0xFFFFF830  }
0x2c: {  	[spmem:s2] =	stream.indirect.scatter.add.bf16 [tilespmem:s16], [sflag:$0x3], $0x10, s31, s14, $0xb8;
	[tilespmem:$0x5FA0] =	vst v63  }
0x2d: {  	_ =	swait.ge [sflag:s12], $0x7D0  }
0x2e: {  	s24 =	simm.s32 $0x800;
	s23 =	simm.s32 $0x100;
	[sflag:s12] =	ssyncset.done $0x0  }
.LBB2_2:
0x2f: {  	s25 =	sadd.s32 $0x80, s23  }
0x30: {  	[sflag:s12] =	ssyncadd.s32 $0xFFFFF830;
	s26 =	smov.u32 s24;
	s28 =	sadd.s32 $0x400, s24  }
0x31: {  	[tilespmem:s16], [sflag:$0x2] =	stream.indirect.gather [hbm4b:s4+s14], $0x10, s25, s14, $0xb8;
	[tilespmem:$0x5FA0] =	vst v63  }
0x32: {  	p0 =	sne.s32 s24, $0x4800;
	_ =	swait.ge [sflag:s17], $0x7D0  }
0x33: {  	[sflag:s17] =	ssyncset.done $0x0  }
0x34: {  	s24 =	sadd.s32 $0x1400, s23;
	[sflag:s17] =	ssyncadd.s32 $0xFFFFF830  }
0x35: {  	[spmem:s2] =	stream.indirect.scatter.add.bf16 [tilespmem:s15], [sflag:$0x3], $0x10, s24, s14, $0xb8;
	[tilespmem:$0x5FA0] =	vst v63  }
0x36: {  	_ =	swait.ge [sflag:s12], $0x7D0  }
0x37: {  	[sflag:s12] =	ssyncset.done $0x0  }
0x38: {  	s24 =	sadd.s32 $0x100, s23;
	[sflag:s12] =	ssyncadd.s32 $0xFFFFF830  }
0x39: {  	[tilespmem:s15], [sflag:$0x1] =	stream.indirect.gather [hbm4b:s4+s14], $0x10, s24, s14, $0xb8;
	[tilespmem:$0x5FA0] =	vst v63  }
0x3a: {  	_ =	swait.ge [sflag:s18], $0x7D0  }
.Ltmp0:
0x3b: {  	[sflag:s18] =	ssyncset.done $0x0;
	(pc) =	sbr.rel @p0 .LBB2_2-.Ltmp0, $4  }
0x3c: {  	s23 =	sadd.s32 $0x1480, s23;
	[sflag:s18] =	ssyncadd.s32 $0xFFFFF830  }
0x3d: {  	[spmem:s2] =	stream.indirect.scatter.add.bf16 [tilespmem:s16], [sflag:$0x3], $0x10, s23, s14, $0xb8;
	[tilespmem:$0x5FA0] =	vst v63  }
0x3e: {  	_ =	swait.ge [sflag:s12], $0x7D0  }
0x3f: {  	s24 =	smov.u32 s28;
	s23 =	sshra.s32 s26, $0x2;
	[sflag:s12] =	ssyncset.done $0x0  }
0x40: {  	s24 =	sadd.s32 $0x80, s23;
	[sflag:s12] =	ssyncadd.s32 $0xFFFFF830  }
0x41: {  	[tilespmem:s16], [sflag:$0x2] =	stream.indirect.gather [hbm4b:s4+s14], $0x10, s24, s14, $0xb8;
	[tilespmem:$0x5FA0] =	vst v63  }
0x42: {  	_ =	swait.ge [sflag:s17], $0x7D0  }
0x43: {  	[sflag:s17] =	ssyncset.done $0x0  }
0x44: {  	s29 =	sadd.s32 $0x1400, s23;
	[sflag:s17] =	ssyncadd.s32 $0xFFFFF830  }
0x45: {  	[spmem:s2] =	stream.indirect.scatter.add.bf16 [tilespmem:s15], [sflag:$0x3], $0x10, s29, s14, $0xb8;
	[tilespmem:$0x5FA0] =	vst v63  }
0x46: {  	_ =	swait.ge [sflag:s12], $0x7D0  }
0x47: {  	[sflag:s12] =	ssyncset.done $0x0  }
0x48: {  	s30 =	sadd.s32 $0x100, s23;
	[sflag:s12] =	ssyncadd.s32 $0xFFFFF830  }
0x49: {  	[tilespmem:s15], [sflag:$0x1] =	stream.indirect.gather [hbm4b:s4+s14], $0x10, s30, s14, $0xb8;
	[tilespmem:$0x5FA0] =	vst v63  }
0x4a: {  	_ =	swait.ge [sflag:s18], $0x7D0  }
0x4b: {  	[sflag:s18] =	ssyncset.done $0x0  }
0x4c: {  	s31 =	sadd.s32 $0x1480, s23;
	[sflag:s18] =	ssyncadd.s32 $0xFFFFF830  }
0x4d: {  	[spmem:s2] =	stream.indirect.scatter.add.bf16 [tilespmem:s16], [sflag:$0x3], $0x10, s31, s14, $0xb8;
	[tilespmem:$0x5FA0] =	vst v63  }
0x4e: {  	_ =	swait.ge [sflag:s12], $0x7D0  }
0x4f: {  	[sflag:s12] =	ssyncset.done $0x0  }
0x50: {  	[sflag:s12] =	ssyncadd.s32 $0xFFFFF830  }
0x51: {  	[tilespmem:s16], [sflag:$0x2] =	stream.indirect.gather [hbm4b:s4+s14], $0x10, s19, s14, $0xb8;
	[tilespmem:$0x5FA0] =	vst v63  }
0x52: {  	_ =	swait.ge [sflag:s17], $0x7D0  }
0x53: {  	[sflag:s17] =	ssyncset.done $0x0  }
0x54: {  	[sflag:s17] =	ssyncadd.s32 $0xFFFFF830  }
0x55: {  	[spmem:s2] =	stream.indirect.scatter.add.bf16 [tilespmem:s15], [sflag:$0x3], $0x10, s20, s14, $0xb8;
	[tilespmem:$0x5FA0] =	vst v63  }
0x56: {  	_ =	swait.ge [sflag:s12], $0x7D0  }
0x57: {  	[sflag:s12] =	ssyncset.done $0x0  }
0x58: {  	[sflag:s12] =	ssyncadd.s32 $0xFFFFF830  }
0x59: {  	_ =	swait.ge [sflag:s18], $0x7D0  }
0x5a: {  	[sflag:s18] =	ssyncset.done $0x0  }
0x5b: {  	[sflag:s18] =	ssyncadd.s32 $0xFFFFF830  }
0x5c: {  	[spmem:s2] =	stream.indirect.scatter.add.bf16 [tilespmem:s16], [sflag:$0x3], $0x10, s21, s14, $0xb8;
	[tilespmem:$0x5FA0] =	vst v63  }
0x5d: {  	_ =	swait.ge [sflag:s12], $0x7D0  }
0x5e: {  	s22 =	sadd.s32 $0x1, s22;
	[sflag:s12] =	ssyncset.done $0x0  }
0x5f: {  	p0 =	sne.s32 s22, s10;
	[sflag:s12] =	ssyncadd.s32 $0xFFFFF830  }
.Ltmp1:
0x60: {  	[bflag:$0x0] =	sbarrier.arrive $0xFFFF;
	(pc) =	sbr.rel @p0 .LBB2_1-.Ltmp1, $4  }
0x61: {  	[hbm:s9], [sflag:s6] =	dma.local [spmem:s11], $0x500  }
0x62: {  	_ =	swait.ge [sflag:s12], $0x500  }
0x63: {  	[sflag:s12] =	ssyncset.done $0x0  }
0x64: {  	[sflag:s12] =	ssyncadd.s32 $0xFFFFFB00  }
0x65: {  	_ =	sfence.sel $0x180000  }
0x66: {  	[bflag:$0x0] =	sbarrier.arrive $0xFFFF  }
0x67: {  	p0 =	sne.s32 s0, $0x0;
	_ =	strace $0x90000050  }
0x68: {  	s0 =	sadd.s32 @!p0 $0x100000, s1;
	[bflag:$0x2] =	sbarrier.arrive $0xFFFF  }
0x69: {  	[sflag:s0] =	ssyncadd.tile.s32 @!p0 $0x1;
	_ =	shalt  }
.Lfunc_end2:
_tile_overlayer_lowered:
.L_overlay_start_2:
0x6a: {  	(tag) =	ssettag $0x2  }
0x6b: {  	s0 =	rddreg [dreg:$0x0];
	s2 =	stileid.u32  }
0x6c: {  	s1 =	rddreg [dreg:$0x1];
	p0 =	sne.s32 s2, $0x0  }
0x6d: {  	s3 =	rddreg [dreg:$0x2];
	[bflag:$0x3] =	sbarrier.arrive $0xFFFF;
	s2 =	simm.s32 @!p0 $0x1C03  }
0x6e: {  	[timem:s3], [sflag:s2] =	dma.local @!p0 [hbm:s0], s1  }
0x6f: {  	s0 =	simm.s32 @!p0 $0x3  }
0x70: {  	_ =	swait.ge @!p0 [sflag:s0], s1  }
0x71: {  	s1 =	ssub.s32 @!p0 $0x0, s1;
	[sflag:s0] =	ssyncset.done @!p0 $0x0  }
0x72: {  	[sflag:s0] =	ssyncadd.s32 @!p0 s1  }
0x73: {  	[bflag:$0x3] =	sbarrier.arrive $0xFFFF  }
0x74: {  	_ =	shalt  }

// kernel: kernel.9.cloned.1.call-start
scs
__scs_entry_jumppad:
0x0: {  	(pc) =	sbr.rel $0x88, $3  }
0x1: {  	(tag) =	ssettag $0x0;
	lr =	simm.s32 $0x1  }
0x2: {  	[smem:$0x3F99] =	sst lr;
	_ =	strace $0xD0000000  }
0x3: {  	_ = 	snop  }
0x4: {  	_ = 	snop  }
0x5: {  	_ = 	snop  }
0x6: {  	_ = 	snop  }
0x7: {  	_ = 	snop  }
__scs_overlays_trampoline_lowered:
0x8: {  	[smem:$0x3FA8] =	sst s0  }
0x9: {  	[smem:$0x3FA9] =	sst s1  }
0xa: {  	[smem:$0x3FAA] =	sst s2  }
0xb: {  	[smem:$0x3FAB] =	sst s3  }
0xc: {  	[smem:$0x3FAC] =	sst s4  }
0xd: {  	[smem:$0x3FAD] =	sst s5  }
0xe: {  	[smem:$0x3FAE] =	sst s6  }
0xf: {  	[smem:$0x3FAF] =	sst s7  }
0x10: {  	[smem:$0x3FB0] =	sst s8  }
0x11: {  	[smem:$0x3FB1] =	sst s9;
	s0 =	simm.s32 @!p0 $0x0  }
0x12: {  	s1 =	sld [smem:$0x3F97];
	s0 =	simm.s32 @p0 $0x1  }
0x13: {  	[smem:$0x3FB2] =	sst s0;
	s0 =	simm.s32 @!p1 $0x0  }
0x14: {  	s2 =	sld [smem:$0x3F96];
	s0 =	simm.s32 @p1 $0x1  }
0x15: {  	[smem:$0x3FB3] =	sst s0;
	s0 =	simm.s32 @!p2 $0x0  }
0x16: {  	s3 =	sld [smem:$0x3FDB];
	s0 =	simm.s32 @p2 $0x1  }
0x17: {  	s4 =	simm.s32 $0x1BF5;
	[smem:$0x3FB5] =	sst s0  }
0x18: {  	s0 =	sld [smem:$0x3F98];
	_ =	swait.ge [sflag:s4], $0x0  }
0x19: {  	s7 =	sld [smem:$0x3F99]  }
0x1a: {  	s8 =	sadd.s32 $0xFFFFE003, lr  }
0x1b: {  	s9 =	sadd.s32 $0xFFFFFEF7, lr;
	s5 =	simm.s32 $0xFFFFFFFF;
	p2 =	slt.u32 s8, $0xFFFFF086  }
0x1c: {  	p1 =	slt.u32 s9, $0xF7A;
	s5 =	simm.s32 @!p2 $0x0  }
0x1d: {  	s5 =	simm.s32 @p1 $0x1;
	p0 =	seq.s32 s7, s2  }
0x1e: {  	s7 =	smul.u32 @!p0 $0xF7A, s2;
	p2 =	seq.s32 @!p0 s5, $0x0  }
0x1f: {  	s9 =	smul.u32 $0xF7A, s1;
	s8 =	simm.s32 @!p0 $0x1BF5;
	p2 =	por !p2, p0  }
0x20: {  	[sflag:s8] =	ssyncset.s32 @!p0 $0xFFFFF086;
	s6 =	sadd.s32 @!p0 s3, s7;
	s7 =	simm.s32 @!p0 $0x108  }
0x21: {  	s3 =	sadd.s32 s3, s9;
	s6 =	sadd.s32 @!p0 $0x88, s6;
	s7 =	simm.s32 @p2 $0x1082  }
0x22: {  	[simem:s7], [sflag:s8] =	dma.local @!p0 [hbm:s6], $0xF7A  }
0x23: {  	s9 =	sor.u32 $0xD0000000, s2;
	s6 =	simm.s32 $0x108;
	_ =	swait.ge @!p0 [sflag:s8], $0x0  }
0x24: {  	s3 =	sadd.s32 $0x88, s3;
	s6 =	simm.s32 @!p1 $0x1082;
	[sflag:s4] =	ssyncset.s32 $0xFFFFF086  }
0x25: {  	[simem:s6], [sflag:s4] =	dma.local [hbm:s3], $0xF7A  }
0x26: {  	[smem:$0x3F99] =	sst s1;
	(tag) =	ssettag s2;
	_ =	strace s9  }
0x27: {  	s1 =	sld [smem:$0x3FA9]  }
0x28: {  	s2 =	sld [smem:$0x3FAA]  }
0x29: {  	s4 =	sld [smem:$0x3FAC]  }
0x2a: {  	p0 =	seq.s32 s5, $0x0;
	s5 =	sld [smem:$0x3FAD]  }
0x2b: {  	s6 =	sld [smem:$0x3FAE]  }
0x2c: {  	s7 =	sld [smem:$0x3FAF]  }
0x2d: {  	s3 =	simm.s32 $0x108;
	s8 =	sld [smem:$0x3FB0]  }
0x2e: {  	s3 =	simm.s32 @!p0 $0x1082;
	s9 =	sld [smem:$0x3FB1]  }
0x2f: {  	lr =	sadd.s32 s0, s3;
	s0 =	sld [smem:$0x3FA8]  }
0x30: {  	s3 =	sld [smem:$0x3FAB]  }
0x31: {  	[smem:$0x3FB4] =	sst s10  }
0x32: {  	s10 =	sld [smem:$0x3FB2];
	_ =	sdelay $0x3  }
0x33: {  	p0 =	seq.s32 s10, $0x1;
	s10 =	sld [smem:$0x3FB4];
	_ =	sdelay $0x3  }
0x34: {  	[smem:$0x3FB4] =	sst s10  }
0x35: {  	s10 =	sld [smem:$0x3FB3];
	_ =	sdelay $0x3  }
0x36: {  	p1 =	seq.s32 s10, $0x1;
	s10 =	sld [smem:$0x3FB4];
	_ =	sdelay $0x3  }
0x37: {  	[smem:$0x3FB4] =	sst s10  }
0x38: {  	s10 =	sld [smem:$0x3FB5]  }
0x39: {  	_ = 	snop;
	(pc) =	sbr.ind lr, $3  }
0x3a: {  	_ = 	snop  }
0x3b: {  	_ = 	snop  }
0x3c: {  	p2 =	seq.s32 s10, $0x1;
	s10 =	sld [smem:$0x3FB4]  }
0x3d: {  	_ =	shalt  }
0x3e: {  	_ =	shalt  }
0x3f: {  	_ =	shalt  }
0x40: {  	_ =	shalt  }
0x41: {  	_ =	shalt  }
0x42: {  	_ =	shalt  }
0x43: {  	_ =	shalt  }
0x44: {  	_ =	shalt  }
0x45: {  	_ =	shalt  }
0x46: {  	_ =	shalt  }
0x47: {  	_ =	shalt  }
0x48: {  	_ =	shalt  }
0x49: {  	_ =	shalt  }
0x4a: {  	_ =	shalt  }
0x4b: {  	_ =	shalt  }
0x4c: {  	_ =	shalt  }
0x4d: {  	_ =	shalt  }
0x4e: {  	_ =	shalt  }
0x4f: {  	_ =	shalt  }
0x50: {  	_ =	shalt  }
0x51: {  	_ =	shalt  }
0x52: {  	_ =	shalt  }
0x53: {  	_ =	shalt  }
0x54: {  	_ =	shalt  }
0x55: {  	_ =	shalt  }
0x56: {  	_ =	shalt  }
0x57: {  	_ =	shalt  }
0x58: {  	_ =	shalt  }
0x59: {  	_ =	shalt  }
0x5a: {  	_ =	shalt  }
0x5b: {  	_ =	shalt  }
0x5c: {  	_ =	shalt  }
0x5d: {  	_ =	shalt  }
0x5e: {  	_ =	shalt  }
0x5f: {  	_ =	shalt  }
0x60: {  	_ =	shalt  }
0x61: {  	_ =	shalt  }
0x62: {  	_ =	shalt  }
0x63: {  	_ =	shalt  }
0x64: {  	_ =	shalt  }
0x65: {  	_ =	shalt  }
0x66: {  	_ =	shalt  }
0x67: {  	_ =	shalt  }
0x68: {  	_ =	shalt  }
0x69: {  	_ =	shalt  }
0x6a: {  	_ =	shalt  }
0x6b: {  	_ =	shalt  }
0x6c: {  	_ =	shalt  }
0x6d: {  	_ =	shalt  }
0x6e: {  	_ =	shalt  }
0x6f: {  	_ =	shalt  }
0x70: {  	_ =	shalt  }
0x71: {  	_ =	shalt  }
0x72: {  	_ =	shalt  }
0x73: {  	_ =	shalt  }
0x74: {  	_ =	shalt  }
0x75: {  	_ =	shalt  }
0x76: {  	_ =	shalt  }
0x77: {  	_ =	shalt  }
0x78: {  	_ =	shalt  }
0x79: {  	_ =	shalt  }
0x7a: {  	_ =	shalt  }
0x7b: {  	_ =	shalt  }
0x7c: {  	_ =	shalt  }
0x7d: {  	_ =	shalt  }
0x7e: {  	_ =	shalt  }
0x7f: {  	_ =	shalt  }
0x80: {  	_ =	shalt  }
0x81: {  	_ =	shalt  }
0x82: {  	_ =	shalt  }
0x83: {  	_ =	shalt  }
0x84: {  	_ =	shalt  }
0x85: {  	_ =	shalt  }
0x86: {  	_ =	shalt  }
0x87: {  	_ =	shalt  }
.Lfunc_end0:
.L_simem_size_0:
called_computation_lowered:
.L_overlay_start_0:
0x88: {  	s2 =	sld [smem:$0x3FD9]  }
0x89: {  	s3 =	sld [smem:$0x3FFE];
	_ =	sdelay $0x1  }
0x8a: {  	s1 =	srdreg.scid  }
0x8b: {  	s0 =	sand.u32 $0x1, s1  }
0x8c: {  	s17 =	sshll.u32 s0, $0xA;
	s2 =	sadd.s32 s3, s2  }
0x8d: {  	s2 =	sadd.s32 s2, s17  }
0x8e: {  	[smem:$0x3FC0] =	sst s2  }
0x8f: {  	_ = 	snop  }
0x90: {  	s2 =	sld [smem:$0x3FD0];
	(tm) =	ssettm $0x1  }
0x91: {  	s18 =	sld [smem:$0x3FFB];
	_ =	sdelay $0x3  }
0x92: {  	_ =	strace s18  }
0x93: {  	s3 =	sld [smem:$0x3FFC];
	_ =	sdelay $0x3  }
0x94: {  	_ =	strace s3  }
0x95: {  	s3 =	sld [smem:$0x3FFD];
	_ =	sdelay $0x3  }
0x96: {  	_ =	strace s3  }
0x97: {  	_ =	strace $0x8FFFFFFF  }
0x98: {  	s19 =	sld [smem:$0x3FDB];
	_ =	sdelay $0x1  }
0x99: {  	s4 =	simm.s32 $_scs_section_size  }
0x9a: {  	s5 =	simm.s32 $_size__tile_overlayer_lowered;
	s6 =	simm.s32 $_tile_overlayer_lowered  }
0x9b: {  	s22 =	simm.s32 $0x1BFF;
	s21 =	sshll.u32 s6, $0x1;
	s3 =	sadd.s32 s4, s19  }
0x9c: {  	s7 =	simm.s32 $0x0;
	s20 =	sshll.u32 s5, $0x1;
	s5 =	sadd.s32 s21, s3  }
0x9d: {  	[timem:s7], [sflag:s22] =	dma.local [hbm:s5], s20  }
0x9e: {  	_ =	swait.ge [sflag:s22], s20  }
0x9f: {  	s4 =	ssub.s32 $0x0, s20;
	[sflag:s22] =	ssyncset.done $0x0  }
0xa0: {  	[sflag:s22] =	ssyncadd.s32 s4;
	_ =	sdelay $0x1  }
0xa1: {  	s23 =	simm.s32 $0x1B8B  }
0xa2: {  	_ =	swait.ge [sflag:s23], $0x1  }
0xa3: {  	[sflag:s23] =	ssyncset.done $0x0  }
0xa4: {  	s25 =	simm.s32 $0x1B8E;
	s24 =	sld [smem:$0x3FFE];
	[sflag:s23] =	ssyncadd.s32 $0xFFFFFFFF  }
0xa5: {  	s26 =	simm.s32 $execute0_lowered;
	[smem:$0x3FD2] =	sst s25  }
0xa6: {  	s5 =	sshll.u32 s26, $0x1;
	_ =	strace $0x80000046;
	[dreg:$0x1] =	wrdreg $0xFFFFFFFF  }
0xa7: {  	s28 =	simm.s32 $_size_execute0_lowered;
	s3 =	sadd.s32 s3, s5;
	[dreg:$0x0] =	wrdreg $0x0  }
0xa8: {  	s5 =	sshll.u32 s28, $0x1;
	[dreg:$0x2] =	wrdreg s3  }
0xa9: {  	[dreg:$0x3] =	wrdreg s5  }
0xaa: {  	[dreg:$0x4] =	wrdreg $0xC0  }
0xab: {  	_ =	task [dreg:s7], $0x5FFFF  }
0xac: {  	[dreg:$0x1] =	wrdreg $0xFFFFFFFF  }
0xad: {  	[dreg:$0x0] =	wrdreg $0x60  }
0xae: {  	[dreg:$0x2] =	wrdreg s24  }
0xaf: {  	[dreg:$0x3] =	wrdreg s2  }
0xb0: {  	[dreg:$0x4] =	wrdreg $0x66800  }
0xb1: {  	[dreg:$0x5] =	wrdreg $0x9  }
0xb2: {  	_ =	task.clear_ibuf [dreg:s7], $0x6FFFF;
	_ =	strace $0x90000046  }
0xb3: {  	s29 =	simm.s32 $0x9;
	_ =	strace $0x80000048  }
0xb4: {  	_ =	swait.ge [sflag:s29], $0x1  }
0xb5: {  	[sflag:s29] =	ssyncadd.s32 $0xFFFFFFFF  }
0xb6: {  	_ =	strace $0x90000048  }
0xb7: {  	_ =	sfence  }
0xb8: {  	s30 =	sld [smem:$0x0];
	_ =	sdelay $0x2  }
0xb9: {  	s31 =	sshll.u32 s1, $0xD;
	s1 =	sshrl.u32 s1, $0x2  }
0xba: {  	s3 =	sand.u32 $0x4000, s31;
	s1 =	sadd.s32 s1, s30  }
0xbb: {  	s0 =	sor.u32 s3, s0;
	s1 =	sshll.u32 s1, $0x11  }
0xbc: {  	s0 =	sor.u32 s1, s0  }
0xbd: {  	s0 =	sadd.s32 $0x8F2B, s0  }
0xbe: {  	[sflag:s0] =	ssyncadd.remote.s32 $0x1  }
0xbf: {  	_ =	sfence.sel $0xFFFF  }
0xc0: {  	[dreg:$0x0] =	wrdreg $0xFFFFFFFF;
	(pc) =	sbr.abs _section_cstart, $3  }
0xc1: {  	[dreg:$0x1] =	wrdreg $0xFFFFFFFF  }
0xc2: {  	_ =	task.clear_ibuf [dreg:s7], $0x2FFFF;
	_ =	strace $0x9FFFFFFF  }
0xc3: {  	(tm) =	ssettm $0x7FFFFFFF  }
tec
execute0_lowered:
.L_overlay_start_1:
0x0: {  	(tag) =	ssettag $0x1  }
0x1: {  	s5 =	rddreg [dreg:$0x0]  }
0x2: {  	s0 =	srdreg.scid;
	s9 =	rddreg [dreg:$0x1]  }
0x3: {  	s2 =	rddreg [dreg:$0x2];
	s3 =	simm.s32 $0x0;
	s14 =	simm.s32 $0x7D  }
0x4: {  	s15 =	simm.s32 $0x2800;
	s16 =	simm.s32 $0x4740;
	s17 =	simm.s32 $0x1  }
0x5: {  	s18 =	simm.s32 $0x2;
	s19 =	simm.s32 $0x1380;
	s20 =	simm.s32 $0x2700  }
0x6: {  	s21 =	simm.s32 $0x2780;
	s6 =	sand.u32 $0x1, s0;
	s0 =	stileid.u32  }
0x7: {  	s22 =	simm.s32 $0x0;
	[smem:$0x7FF] =	sst s3;
	s8 =	smul.u32 $0x14000, s0  }
0x8: {  	s1 =	sshll.u32 s6, $0x4;
	s11 =	ssub.s32 $0x2, s6;
	s6 =	smul.u32 $0x140000, s6  }
0x9: {  	s30 =	sshll.u32 s0, $0x6;
	s4 =	sor.u32 s0, s1;
	s1 =	rddreg [dreg:$0x3]  }
0xa: {  	_ =	strace $0x80000047;
	s12 =	sshrl.u32 s11, $0x1;
	s7 =	smul.u32 $0x280, s4  }
0xb: {  	s4 =	sadd.s32 $0x80E00, s5;
	s28 =	sshrl.u32 s8, $0x4;
	s13 =	sshrl.u32 s8, $0x1  }
0xc: {  	s11 =	ssub.s32 s11, s12;
	s8 =	sadd.s32 s8, s6;
	s6 =	sor.u32 $0x1C03, s30  }
0xd: {  	s12 =	simm.s32 $0x3;
	s29 =	sadd.s32 s13, s2;
	s31 =	sshrl.u32 s8, $0x4  }
0xe: {  	s13 =	simm.s32 $0x1400;
	s10 =	sadd.s32 s7, s5;
	s5 =	sadd.s32 s28, s5  }
0xf: {  	s9 =	sadd.s32 s9, s31;
	s5 =	sadd.s32 $0x94800, s5;
	s7 =	sadd.s32 $0x6A00, s10  }
0x10: {  	s8 =	sadd.s32 $0x1A00, s10;
	s10 =	smax.u32 s11, $0x1;
	s11 =	sshrl.u32 s29, $0x3  }
.LBB2_1:
0x11: {  	[spmem:s11], [sflag:s6] =	dma.local [hbm:s5], $0x1400  }
0x12: {  	_ =	swait.ge [sflag:s12], $0x1400  }
0x13: {  	[sflag:s12] =	ssyncset.done $0x0  }
0x14: {  	[sflag:s12] =	ssyncadd.s32 $0xFFFFEC00  }
0x15: {  	[tilespmem:s3], [sflag:$0x3] =	stream.linear.gather [hbm4b:s7+s3], $0x1400, $0x38;
	[tilespmem:$0x10680] =	vst v63  }
0x16: {  	_ =	swait.ge [sflag:s12], $0x1400  }
0x17: {  	[sflag:s12] =	ssyncset.done $0x0  }
0x18: {  	[sflag:s12] =	ssyncadd.s32 $0xFFFFEC00  }
0x19: {  	[tilespmem:s13], [sflag:$0x3] =	stream.linear.gather [hbm4b:s8+s3], $0x1400, $0x38;
	[tilespmem:$0x10680] =	vst v63  }
0x1a: {  	_ =	swait.ge [sflag:s12], $0x1400  }
0x1b: {  	[sflag:s12] =	ssyncset.done $0x0  }
0x1c: {  	[sflag:s12] =	ssyncadd.s32 $0xFFFFEC00  }
0x1d: {  	[bflag:$0x0] =	sbarrier.arrive $0xFFFF  }
0x1e: {  	[tilespmem:s15], [sflag:$0x1] =	stream.indirect.gather [hbm4b:s4+s14], $0x40, s3, s14, $0xb8;
	[tilespmem:$0x10680] =	vst v63  }
0x1f: {  	s23 =	simm.s32 $0x80  }
0x20: {  	[tilespmem:s16], [sflag:$0x2] =	stream.indirect.gather [hbm4b:s4+s14], $0x40, s23, s14, $0xb8;
	[tilespmem:$0x10680] =	vst v63  }
0x21: {  	_ =	swait.ge [sflag:s17], $0x1F40  }
0x22: {  	[sflag:s17] =	ssyncset.done $0x0  }
0x23: {  	s29 =	simm.s32 $0x1400;
	[sflag:s17] =	ssyncadd.s32 $0xFFFFE0C0  }
0x24: {  	[spmem:s2] =	stream.indirect.scatter.add.bf16 [tilespmem:s15], [sflag:$0x3], $0x40, s29, s14, $0xb8;
	[tilespmem:$0x10680] =	vst v63  }
0x25: {  	_ =	swait.ge [sflag:s12], $0x1F40  }
0x26: {  	[sflag:s12] =	ssyncset.done $0x0  }
0x27: {  	s30 =	simm.s32 $0x100;
	[sflag:s12] =	ssyncadd.s32 $0xFFFFE0C0  }
0x28: {  	[tilespmem:s15], [sflag:$0x1] =	stream.indirect.gather [hbm4b:s4+s14], $0x40, s30, s14, $0xb8;
	[tilespmem:$0x10680] =	vst v63  }
0x29: {  	_ =	swait.ge [sflag:s18], $0x1F40  }
0x2a: {  	[sflag:s18] =	ssyncset.done $0x0  }
0x2b: {  	s31 =	simm.s32 $0x1480;
	[sflag:s18] =	ssyncadd.s32 $0xFFFFE0C0  }
0x2c: {  	[spmem:s2] =	stream.indirect.scatter.add.bf16 [tilespmem:s16], [sflag:$0x3], $0x40, s31, s14, $0xb8;
	[tilespmem:$0x10680] =	vst v63  }
0x2d: {  	_ =	swait.ge [sflag:s12], $0x1F40  }
0x2e: {  	s24 =	simm.s32 $0x800;
	s23 =	simm.s32 $0x100;
	[sflag:s12] =	ssyncset.done $0x0  }
.LBB2_2:
0x2f: {  	s25 =	sadd.s32 $0x80, s23  }
0x30: {  	[sflag:s12] =	ssyncadd.s32 $0xFFFFE0C0;
	s26 =	smov.u32 s24;
	s28 =	sadd.s32 $0x400, s24  }
0x31: {  	[tilespmem:s16], [sflag:$0x2] =	stream.indirect.gather [hbm4b:s4+s14], $0x40, s25, s14, $0xb8;
	[tilespmem:$0x10680] =	vst v63  }
0x32: {  	p0 =	sne.s32 s24, $0x4800;
	_ =	swait.ge [sflag:s17], $0x1F40  }
0x33: {  	[sflag:s17] =	ssyncset.done $0x0  }
0x34: {  	s24 =	sadd.s32 $0x1400, s23;
	[sflag:s17] =	ssyncadd.s32 $0xFFFFE0C0  }
0x35: {  	[spmem:s2] =	stream.indirect.scatter.add.bf16 [tilespmem:s15], [sflag:$0x3], $0x40, s24, s14, $0xb8;
	[tilespmem:$0x10680] =	vst v63  }
0x36: {  	_ =	swait.ge [sflag:s12], $0x1F40  }
0x37: {  	[sflag:s12] =	ssyncset.done $0x0  }
0x38: {  	s24 =	sadd.s32 $0x100, s23;
	[sflag:s12] =	ssyncadd.s32 $0xFFFFE0C0  }
0x39: {  	[tilespmem:s15], [sflag:$0x1] =	stream.indirect.gather [hbm4b:s4+s14], $0x40, s24, s14, $0xb8;
	[tilespmem:$0x10680] =	vst v63  }
0x3a: {  	_ =	swait.ge [sflag:s18], $0x1F40  }
.Ltmp0:
0x3b: {  	[sflag:s18] =	ssyncset.done $0x0;
	(pc) =	sbr.rel @p0 .LBB2_2-.Ltmp0, $4  }
0x3c: {  	s23 =	sadd.s32 $0x1480, s23;
	[sflag:s18] =	ssyncadd.s32 $0xFFFFE0C0  }
0x3d: {  	[spmem:s2] =	stream.indirect.scatter.add.bf16 [tilespmem:s16], [sflag:$0x3], $0x40, s23, s14, $0xb8;
	[tilespmem:$0x10680] =	vst v63  }
0x3e: {  	_ =	swait.ge [sflag:s12], $0x1F40  }
0x3f: {  	s24 =	smov.u32 s28;
	s23 =	sshra.s32 s26, $0x2;
	[sflag:s12] =	ssyncset.done $0x0  }
0x40: {  	s24 =	sadd.s32 $0x80, s23;
	[sflag:s12] =	ssyncadd.s32 $0xFFFFE0C0  }
0x41: {  	[tilespmem:s16], [sflag:$0x2] =	stream.indirect.gather [hbm4b:s4+s14], $0x40, s24, s14, $0xb8;
	[tilespmem:$0x10680] =	vst v63  }
0x42: {  	_ =	swait.ge [sflag:s17], $0x1F40  }
0x43: {  	[sflag:s17] =	ssyncset.done $0x0  }
0x44: {  	s29 =	sadd.s32 $0x1400, s23;
	[sflag:s17] =	ssyncadd.s32 $0xFFFFE0C0  }
0x45: {  	[spmem:s2] =	stream.indirect.scatter.add.bf16 [tilespmem:s15], [sflag:$0x3], $0x40, s29, s14, $0xb8;
	[tilespmem:$0x10680] =	vst v63  }
0x46: {  	_ =	swait.ge [sflag:s12], $0x1F40  }
0x47: {  	[sflag:s12] =	ssyncset.done $0x0  }
0x48: {  	s30 =	sadd.s32 $0x100, s23;
	[sflag:s12] =	ssyncadd.s32 $0xFFFFE0C0  }
0x49: {  	[tilespmem:s15], [sflag:$0x1] =	stream.indirect.gather [hbm4b:s4+s14], $0x40, s30, s14, $0xb8;
	[tilespmem:$0x10680] =	vst v63  }
0x4a: {  	_ =	swait.ge [sflag:s18], $0x1F40  }
0x4b: {  	[sflag:s18] =	ssyncset.done $0x0  }
0x4c: {  	s31 =	sadd.s32 $0x1480, s23;
	[sflag:s18] =	ssyncadd.s32 $0xFFFFE0C0  }
0x4d: {  	[spmem:s2] =	stream.indirect.scatter.add.bf16 [tilespmem:s16], [sflag:$0x3], $0x40, s31, s14, $0xb8;
	[tilespmem:$0x10680] =	vst v63  }
0x4e: {  	_ =	swait.ge [sflag:s12], $0x1F40  }
0x4f: {  	[sflag:s12] =	ssyncset.done $0x0  }
0x50: {  	[sflag:s12] =	ssyncadd.s32 $0xFFFFE0C0  }
0x51: {  	[tilespmem:s16], [sflag:$0x2] =	stream.indirect.gather [hbm4b:s4+s14], $0x40, s19, s14, $0xb8;
	[tilespmem:$0x10680] =	vst v63  }
0x52: {  	_ =	swait.ge [sflag:s17], $0x1F40  }
0x53: {  	[sflag:s17] =	ssyncset.done $0x0  }
0x54: {  	[sflag:s17] =	ssyncadd.s32 $0xFFFFE0C0  }
0x55: {  	[spmem:s2] =	stream.indirect.scatter.add.bf16 [tilespmem:s15], [sflag:$0x3], $0x40, s20, s14, $0xb8;
	[tilespmem:$0x10680] =	vst v63  }
0x56: {  	_ =	swait.ge [sflag:s12], $0x1F40  }
0x57: {  	[sflag:s12] =	ssyncset.done $0x0  }
0x58: {  	[sflag:s12] =	ssyncadd.s32 $0xFFFFE0C0  }
0x59: {  	_ =	swait.ge [sflag:s18], $0x1F40  }
0x5a: {  	[sflag:s18] =	ssyncset.done $0x0  }
0x5b: {  	[sflag:s18] =	ssyncadd.s32 $0xFFFFE0C0  }
0x5c: {  	[spmem:s2] =	stream.indirect.scatter.add.bf16 [tilespmem:s16], [sflag:$0x3], $0x40, s21, s14, $0xb8;
	[tilespmem:$0x10680] =	vst v63  }
0x5d: {  	_ =	swait.ge [sflag:s12], $0x1F40  }
0x5e: {  	s22 =	sadd.s32 $0x1, s22;
	[sflag:s12] =	ssyncset.done $0x0  }
0x5f: {  	p0 =	sne.s32 s22, s10;
	[sflag:s12] =	ssyncadd.s32 $0xFFFFE0C0  }
.Ltmp1:
0x60: {  	[bflag:$0x0] =	sbarrier.arrive $0xFFFF;
	(pc) =	sbr.rel @p0 .LBB2_1-.Ltmp1, $4  }
0x61: {  	[hbm:s9], [sflag:s6] =	dma.local [spmem:s11], $0x1400  }
0x62: {  	_ =	swait.ge [sflag:s12], $0x1400  }
0x63: {  	[sflag:s12] =	ssyncset.done $0x0  }
0x64: {  	[sflag:s12] =	ssyncadd.s32 $0xFFFFEC00  }
0x65: {  	_ =	sfence.sel $0x180000  }
0x66: {  	[bflag:$0x0] =	sbarrier.arrive $0xFFFF  }
0x67: {  	p0 =	sne.s32 s0, $0x0;
	_ =	strace $0x90000047  }
0x68: {  	s0 =	sadd.s32 @!p0 $0x100000, s1;
	[bflag:$0x2] =	sbarrier.arrive $0xFFFF  }
0x69: {  	[sflag:s0] =	ssyncadd.tile.s32 @!p0 $0x1;
	_ =	shalt  }
.Lfunc_end2:
_tile_overlayer_lowered:
.L_overlay_start_2:
0x6a: {  	(tag) =	ssettag $0x2  }
0x6b: {  	s0 =	rddreg [dreg:$0x0];
	s2 =	stileid.u32  }
0x6c: {  	s1 =	rddreg [dreg:$0x1];
	p0 =	sne.s32 s2, $0x0  }
0x6d: {  	s3 =	rddreg [dreg:$0x2];
	[bflag:$0x3] =	sbarrier.arrive $0xFFFF;
	s2 =	simm.s32 @!p0 $0x1C03  }
0x6e: {  	[timem:s3], [sflag:s2] =	dma.local @!p0 [hbm:s0], s1  }
0x6f: {  	s0 =	simm.s32 @!p0 $0x3  }
0x70: {  	_ =	swait.ge @!p0 [sflag:s0], s1  }
0x71: {  	s1 =	ssub.s32 @!p0 $0x0, s1;
	[sflag:s0] =	ssyncset.done @!p0 $0x0  }
0x72: {  	[sflag:s0] =	ssyncadd.s32 @!p0 s1  }
0x73: {  	[bflag:$0x3] =	sbarrier.arrive $0xFFFF  }
0x74: {  	_ =	shalt  }

</sc_bundles>
